<compile_context>
chip_gen: v7x
topology: tpu7x:2x2x1
jax: 0.10.2.dev20260603
libtpu: 0.0.44.dev20260713+nightly
codegen_flags: <defaults>
</compile_context>

<pallas_src>
import dataclasses
import functools

import jax
import jax.numpy as jnp
from jax import lax
from jax.experimental import pallas as pl
from jax.experimental.pallas import tpu as pltpu
from jax.experimental.pallas import tpu_sc as plsc

N_USERS = 3000
N_NODES = 10000
D = 128
N_EDGES = 320000
HALF = 5000

NC = 2
NS = 16
NW = NC * NS
CHUNK = N_EDGES // NW
CAP = 10240
NG = 4
TRASH = 5000
RPT = 320
LAST = HALF - (NS - 1) * RPT
UROWS = NS * RPT
BLK = 128
LBLK = 64
SUB = 40

_mesh = plsc.VectorSubcoreMesh(core_axis_name="core", subcore_axis_name="subcore")

_cparams = pltpu.CompilerParams()
if "needs_layout_passes" in pltpu.CompilerParams.__dataclass_fields__:
    _cparams = dataclasses.replace(_cparams, needs_layout_passes=False)

f32 = jnp.float32
i32 = jnp.int32


def _rsqrt16(x):
    i = plsc.bitcast(x, i32)
    i = jnp.int32(0x5F3759DF) - (i >> 1)
    y = plsc.bitcast(i, f32)
    for _ in range(4):
        y = y * (1.5 - 0.5 * x * y * y)
    return y


@jax.jit
def _p1(src, dst):
    @functools.partial(
        pl.kernel,
        out_type=(
            jax.ShapeDtypeStruct((NG * NW * CAP,), i32),
            jax.ShapeDtypeStruct((NG * NW * CAP,), i32),
            jax.ShapeDtypeStruct((NG * NW * 16,), i32),
        ),
        mesh=_mesh,
        compiler_params=_cparams,
        scratch_types=[
            pltpu.VMEM((CHUNK,), i32),
            pltpu.VMEM((CHUNK,), i32),
            pltpu.VMEM((CAP,), i32),
            pltpu.VMEM((CAP,), i32),
            pltpu.VMEM((CAP,), i32),
            pltpu.VMEM((CAP,), i32),
            pltpu.VMEM((CAP,), i32),
            pltpu.VMEM((CAP,), i32),
            pltpu.VMEM((CAP,), i32),
            pltpu.VMEM((CAP,), i32),
            pltpu.VMEM((16,), i32),
        ],
    )
    def k(src_h, dst_h, sl_h, dl_h, cnt_h, sbuf, dbuf,
          l0s, l0d, l1s, l1d, l2s, l2d, l3s, l3d, cbuf):
        c = lax.axis_index("core")
        t = lax.axis_index("subcore")
        w = c * NS + t
        pltpu.sync_copy(src_h.at[pl.ds(w * CHUNK, CHUNK)], sbuf)
        pltpu.sync_copy(dst_h.at[pl.ds(w * CHUNK, CHUNK)], dbuf)

        ls = (l0s, l1s, l2s, l3s)
        ld = (l0d, l1d, l2d, l3d)

        def step(i, ns):
            n0, n1, n2, n3 = ns
            sv = sbuf[pl.ds(i * 16, 16)]
            dv = dbuf[pl.ds(i * 16, 16)]
            mdst0 = dv < HALF
            msrc0 = sv < HALF
            m0 = jnp.logical_and(mdst0, msrc0)
            m1 = jnp.logical_and(mdst0, jnp.logical_not(msrc0))
            m2 = jnp.logical_and(jnp.logical_not(mdst0),
                                 jnp.logical_not(msrc0))
            m3 = jnp.logical_and(jnp.logical_not(mdst0), msrc0)
            plsc.store_compressed(l0s.at[pl.ds(n0, 16)], sv, mask=m0)
            plsc.store_compressed(l0d.at[pl.ds(n0, 16)], dv, mask=m0)
            plsc.store_compressed(l1s.at[pl.ds(n1, 16)], sv, mask=m1)
            plsc.store_compressed(l1d.at[pl.ds(n1, 16)], dv, mask=m1)
            plsc.store_compressed(l2s.at[pl.ds(n2, 16)], sv - HALF, mask=m2)
            plsc.store_compressed(l2d.at[pl.ds(n2, 16)], dv - HALF, mask=m2)
            plsc.store_compressed(l3s.at[pl.ds(n3, 16)], sv, mask=m3)
            plsc.store_compressed(l3d.at[pl.ds(n3, 16)], dv - HALF, mask=m3)
            n0 = n0 + plsc.all_reduce_population_count(m0)[0]
            n1 = n1 + plsc.all_reduce_population_count(m1)[0]
            n2 = n2 + plsc.all_reduce_population_count(m2)[0]
            n3 = n3 + plsc.all_reduce_population_count(m3)[0]
            return n0, n1, n2, n3

        ns = lax.fori_loop(0, CHUNK // 16, step,
                           (i32(0), i32(0), i32(0), i32(0)))

        zeros16 = jnp.zeros((16,), i32)
        trash16 = jnp.full((16,), TRASH, i32)
        for g in range(NG):
            for j in range(BLK // 16):
                ls[g][pl.ds(ns[g] + j * 16, 16)] = zeros16
                ld[g][pl.ds(ns[g] + j * 16, 16)] = trash16

        for g in range(NG):
            pltpu.sync_copy(ls[g], sl_h.at[pl.ds((g * NW + w) * CAP, CAP)])
            pltpu.sync_copy(ld[g], dl_h.at[pl.ds((g * NW + w) * CAP, CAP)])
            cbuf[pl.ds(0, 16)] = jnp.full((16,), 1, i32) * ns[g]
            pltpu.sync_copy(cbuf, cnt_h.at[pl.ds((g * NW + w) * 16, 16)])

    return k(src, dst)


def _block_plan(cbuf, c, t, blk):
    gl, gr = 2 * c, 2 * c + 1

    def nb(g, w):
        cv = cbuf[pl.ds((g * NW + w) * 16, 16)][0]
        return (cv + blk - 1) // blk

    nb0 = nb(gl, 2 * t)
    cumL = nb0 + nb(gl, 2 * t + 1)
    cum2 = cumL + nb(gr, 2 * t)
    nbt = cum2 + nb(gr, 2 * t + 1)

    def voff_of(b):
        return jnp.where(
            b < nb0, (gl * NW + 2 * t) * CAP + b * blk,
            jnp.where(
                b < cumL, (gl * NW + 2 * t + 1) * CAP + (b - nb0) * blk,
                jnp.where(
                    b < cum2, (gr * NW + 2 * t) * CAP + (b - cumL) * blk,
                    (gr * NW + 2 * t + 1) * CAP + (b - cum2) * blk)))

    return nb0, cumL, cum2, nbt, voff_of


@jax.jit
def _p2(dl, cnt, x):
    @functools.partial(
        pl.kernel,
        out_type=(
            jax.ShapeDtypeStruct((NC * UROWS,), f32),
            jax.ShapeDtypeStruct((N_NODES, D), f32),
        ),
        mesh=_mesh,
        compiler_params=_cparams,
        scratch_types=[
            pltpu.VMEM_SHARED((UROWS,), f32),
            pltpu.VMEM((NG * NW * 16,), i32),
            pltpu.VMEM((BLK,), i32),
            pltpu.VMEM((BLK,), i32),
            pltpu.VMEM((BLK,), f32),
            pltpu.VMEM((RPT,), f32),
            pltpu.VMEM((RPT + 16,), f32),
            pltpu.VMEM((SUB, D), f32),
            pltpu.SemaphoreType.DMA,
            pltpu.SemaphoreType.DMA,
            pltpu.SemaphoreType.DMA,
            pltpu.SemaphoreType.DMA,
        ],
    )
    def k(dl_h, cnt_h, x_h, s_h, m0_h, degspm, cbuf, ib0, ib1, ones, dbuf,
          sbufv, xb, d0, d1, s0, s1):
        idxb = (ib0, ib1)
        dsem = (d0, d1)
        ssem = (s0, s1)
        c = lax.axis_index("core")
        t = lax.axis_index("subcore")

        z16 = jnp.zeros((16,), f32)
        for j in range(RPT // 16):
            dbuf[pl.ds(j * 16, 16)] = z16
        o16 = jnp.ones((16,), f32)
        for j in range(BLK // 16):
            ones[pl.ds(j * 16, 16)] = o16
        pltpu.sync_copy(dbuf, degspm.at[pl.ds(t * RPT, RPT)])
        pltpu.sync_copy(cnt_h, cbuf)
        plsc.subcore_barrier()

        _, _, _, nbt, voff_of = _block_plan(cbuf, c, t, BLK)

        def _wait_dscatter(q):
            pltpu.make_async_copy(ones, degspm.at[idxb[q]], ssem[q]).wait()

        def _wait_didx(q):
            pltpu.make_async_copy(dl_h.at[pl.ds(0, BLK)], idxb[q],
                                  dsem[q]).wait()

        def dgroup(g, _):
            for u_ in range(2):
                b = g * 2 + u_

                @pl.when(b < nbt)
                def _(b=b, u_=u_):
                    @pl.when(b >= 2)
                    def _():
                        _wait_dscatter(u_)

                    pltpu.async_copy(dl_h.at[pl.ds(voff_of(b), BLK)],
                                     idxb[u_], dsem[u_])

                    @pl.when(b >= 1)
                    def _():
                        q = (u_ + 1) % 2
                        _wait_didx(q)
                        pltpu.async_copy(ones, degspm.at[idxb[q]],
                                         ssem[q], add=True)
            return 0

        lax.fori_loop(0, (nbt + 1) // 2, dgroup, 0)
        for q in range(2):
            @pl.when(jnp.logical_and(nbt >= 1, (nbt - 1) % 2 == q))
            def _(q=q):
                _wait_didx(q)
                pltpu.async_copy(ones, degspm.at[idxb[q]], ssem[q], add=True)
        for q in range(2):
            @pl.when(nbt > q)
            def _(q=q):
                _wait_dscatter(q)
        plsc.subcore_barrier()

        pltpu.sync_copy(degspm.at[pl.ds(t * RPT, RPT)], dbuf)
        for j in range(RPT // 16):
            dv = dbuf[pl.ds(j * 16, 16)]
            sbufv[pl.ds(j * 16, 16)] = _rsqrt16(jnp.maximum(dv, 1.0))
        pltpu.sync_copy(sbufv.at[pl.ds(0, RPT)],
                        s_h.at[pl.ds(c * UROWS + t * RPT, RPT)])

        rc = jnp.minimum(RPT, HALF - t * RPT)
        nblk = rc // SUB

        def mblk(b, _):
            g0 = c * HALF + t * RPT + b * SUB
            pltpu.sync_copy(x_h.at[pl.ds(g0, SUB)], xb)

            def row(i, _):
                sr = sbufv[pl.ds(b * SUB + i, 16)][0]
                for j in range(D // 16):
                    sl = pl.ds(j * 16, 16)
                    xb[i, sl] = xb[i, sl] * sr
                return 0

            lax.fori_loop(0, SUB, row, 0)
            pltpu.sync_copy(xb, m0_h.at[pl.ds(g0, SUB)])
            return 0

        lax.fori_loop(0, nblk, mblk, 0)

    return k(dl, cnt, x)


def _make_layer(scale, write_m, gather_users=False):
    out_type = [jax.ShapeDtypeStruct((N_NODES, D), f32)]
    if write_m:
        out_type.append(jax.ShapeDtypeStruct((N_NODES, D), f32))
    if gather_users:
        out_type.append(jax.ShapeDtypeStruct((4096, D), f32))

    @jax.jit
    def run(m, sl, dl, cnt, s, acc_in, uid=None):
        args = [m, sl, dl, cnt, s, acc_in]
        if gather_users:
            args.append(uid)

        @functools.partial(
            pl.kernel,
            out_type=tuple(out_type),
            mesh=_mesh,
            compiler_params=_cparams,
            scratch_types=[
                pltpu.VMEM_SHARED((UROWS, D), f32),
                pltpu.VMEM_SHARED((UROWS, D), f32),
                pltpu.VMEM((SUB, D), f32),
                pltpu.VMEM((NG * NW * 16,), i32),
                pltpu.VMEM((LBLK,), i32),
                pltpu.VMEM((LBLK,), i32),
                pltpu.VMEM((LBLK,), i32),
                pltpu.VMEM((LBLK,), i32),
                pltpu.VMEM((LBLK,), i32),
                pltpu.VMEM((LBLK,), i32),
                pltpu.VMEM((LBLK, D), f32),
                pltpu.VMEM((LBLK, D), f32),
                pltpu.VMEM((LBLK, D), f32),
                pltpu.VMEM((SUB, D), f32),
                pltpu.VMEM((RPT + 16,), f32),
                pltpu.SemaphoreType.DMA,
                pltpu.SemaphoreType.DMA,
                pltpu.SemaphoreType.DMA,
                pltpu.SemaphoreType.DMA,
                pltpu.SemaphoreType.DMA,
                pltpu.SemaphoreType.DMA,
                pltpu.SemaphoreType.DMA,
                pltpu.SemaphoreType.DMA,
                pltpu.SemaphoreType.DMA,
                pltpu.SemaphoreType.DMA,
                pltpu.SemaphoreType.DMA,
                pltpu.SemaphoreType.DMA,
                pltpu.SemaphoreType.DMA,
            ],
        )
        def k(*refs):
            n_in = 7 if gather_users else 6
            m_h, sl_h, dl_h, cnt_h, s_h, acc_in_h = refs[:6]
            uid_h = refs[6] if gather_users else None
            pos = n_in
            acc_out_h = refs[pos]; pos += 1
            m_out_h = None
            ue_h = None
            if write_m:
                m_out_h = refs[pos]; pos += 1
            if gather_users:
                ue_h = refs[pos]; pos += 1
            (uspm, mspm, zb, cbuf, is0, is1, is2, id0, id1, id2,
             rw0, rw1, rw2, ab, sb,
             i0, i1, i2, d0, d1, d2, g0, g1, g2, s0, s1, s2, pf) = refs[pos:]
            isrc = (is0, is1, is2)
            idst = (id0, id1, id2)
            rows = (rw0, rw1, rw2)
            isem = (i0, i1, i2)
            dsem = (d0, d1, d2)
            gsem = (g0, g1, g2)
            ssem = (s0, s1, s2)
            c = lax.axis_index("core")
            t = lax.axis_index("subcore")

            @pl.when(t < NS - 1)
            def _():
                pltpu.async_copy(m_h.at[pl.ds(c * HALF + t * RPT, RPT)],
                                 mspm.at[pl.ds(t * RPT, RPT)], pf)

            @pl.when(t == NS - 1)
            def _():
                pltpu.async_copy(
                    m_h.at[pl.ds(c * HALF + (NS - 1) * RPT, LAST)],
                    mspm.at[pl.ds((NS - 1) * RPT, LAST)], pf)

            z16 = jnp.zeros((16,), f32)
            for i in range(SUB):
                for j in range(D // 16):
                    zb[i, pl.ds(j * 16, 16)] = z16
            for b in range(RPT // SUB):
                pltpu.sync_copy(zb, uspm.at[pl.ds(t * RPT + b * SUB, SUB)])
            pltpu.sync_copy(cnt_h, cbuf)
            pltpu.sync_copy(s_h.at[pl.ds(c * UROWS + t * RPT, RPT)],
                            sb.at[pl.ds(0, RPT)])

            @pl.when(t < NS - 1)
            def _():
                pltpu.make_async_copy(m_h.at[pl.ds(0, RPT)],
                                      mspm.at[pl.ds(t * RPT, RPT)],
                                      pf).wait()

            @pl.when(t == NS - 1)
            def _():
                pltpu.make_async_copy(
                    m_h.at[pl.ds(0, LAST)],
                    mspm.at[pl.ds((NS - 1) * RPT, LAST)], pf).wait()
            plsc.subcore_barrier()

            gl, gr = 2 * c, 2 * c + 1

            def nbw(g_id, w):
                cv = cbuf[pl.ds((g_id * NW + w) * 16, 16)][0]
                return (cv + LBLK - 1) // LBLK

            nb0 = nbw(gl, 2 * t)
            nbL = nb0 + nbw(gl, 2 * t + 1)
            nb2 = nbw(gr, 2 * t)
            nbR = nb2 + nbw(gr, 2 * t + 1)
            nbt = nbL + nbR
            mn = jnp.minimum(nbL, nbR)

            def plan_of(b):
                in_pair = b < 2 * mn
                is_local = jnp.where(in_pair, b % 2 == 0, nbL > nbR)
                side = jnp.where(in_pair, b // 2, b - mn)
                lvoff = jnp.where(
                    side < nb0,
                    (gl * NW + 2 * t) * CAP + side * LBLK,
                    (gl * NW + 2 * t + 1) * CAP + (side - nb0) * LBLK)
                rvoff = jnp.where(
                    side < nb2,
                    (gr * NW + 2 * t) * CAP + side * LBLK,
                    (gr * NW + 2 * t + 1) * CAP + (side - nb2) * LBLK)
                return is_local, jnp.where(is_local, lvoff, rvoff)

            def _wait_scatter(q):
                pltpu.make_async_copy(rows[q], uspm.at[idst[q]],
                                      ssem[q]).wait()

            def group(g_, _):
                for u_ in range(3):
                    b = g_ * 3 + u_

                    @pl.when(b <= nbt + 1)
                    def _(b=b, u_=u_):
                        @pl.when(jnp.logical_and(b >= 1, b - 1 < nbt))
                        def _():
                            q = (u_ + 2) % 3
                            pltpu.make_async_copy(
                                sl_h.at[pl.ds(0, LBLK)], isrc[q],
                                isem[q]).wait()
                            is_loc, _ = plan_of(b - 1)

                            @pl.when(is_loc)
                            def _():
                                pltpu.async_copy(mspm.at[isrc[q]], rows[q],
                                                 gsem[q])

                            @pl.when(jnp.logical_not(is_loc))
                            def _():
                                pltpu.async_copy(m_h.at[isrc[q]], rows[q],
                                                 gsem[q])

                        @pl.when(jnp.logical_and(b >= 2, b - 2 < nbt))
                        def _():
                            r = (u_ + 1) % 3
                            pltpu.make_async_copy(
                                dl_h.at[pl.ds(0, LBLK)], idst[r],
                                dsem[r]).wait()
                            pltpu.make_async_copy(
                                m_h.at[isrc[r]], rows[r], gsem[r]).wait()
                            pltpu.async_copy(rows[r], uspm.at[idst[r]],
                                             ssem[r], add=True)

                        @pl.when(b < nbt)
                        def _():
                            @pl.when(b >= 3)
                            def _():
                                _wait_scatter(u_)

                            _, voff = plan_of(b)
                            pltpu.async_copy(sl_h.at[pl.ds(voff, LBLK)],
                                             isrc[u_], isem[u_])
                            pltpu.async_copy(dl_h.at[pl.ds(voff, LBLK)],
                                             idst[u_], dsem[u_])
                return 0

            lax.fori_loop(0, (nbt + 4) // 3, group, 0)
            for q in range(3):
                @pl.when(nbt > q)
                def _(q=q):
                    _wait_scatter(q)
            plsc.subcore_barrier()

            rc = jnp.minimum(RPT, HALF - t * RPT)
            nblk = rc // SUB

            def mblk(b, _):
                l0 = t * RPT + b * SUB
                g0_ = c * HALF + l0
                pltpu.sync_copy(uspm.at[pl.ds(l0, SUB)], zb)
                pltpu.sync_copy(acc_in_h.at[pl.ds(g0_, SUB)], ab)

                def row(i, _):
                    sr = sb[pl.ds(b * SUB + i, 16)][0]
                    for j in range(D // 16):
                        sl_ = pl.ds(j * 16, 16)
                        out16 = zb[i, sl_] * sr
                        ab[i, sl_] = (ab[i, sl_] + out16) * scale
                        if write_m:
                            zb[i, sl_] = out16 * sr
                    return 0

                lax.fori_loop(0, SUB, row, 0)
                pltpu.sync_copy(ab, acc_out_h.at[pl.ds(g0_, SUB)])
                if write_m:
                    pltpu.sync_copy(zb, m_out_h.at[pl.ds(g0_, SUB)])
                return 0

            lax.fori_loop(0, nblk, mblk, 0)

            if gather_users:
                plsc.subcore_barrier()

                @pl.when(c == 0)
                def _():
                    per_t = 4096 // NS
                    for g_ in range(per_t // LBLK):
                        u0 = t * per_t + g_ * LBLK
                        pltpu.sync_copy(uid_h.at[pl.ds(u0, LBLK)], is0)
                        pltpu.sync_copy(acc_out_h.at[is0], rw0)
                        pltpu.sync_copy(rw0, ue_h.at[pl.ds(u0, LBLK)])

        return k(*args)

    return run


_layer_mid = _make_layer(1.0, True)
_layer_last = _make_layer(0.25, False, gather_users=True)


def kernel(x, user_idx, edge_index):
    src = edge_index[0]
    dst = edge_index[1]
    sl, dl, cnt = _p1(src, dst)
    s, m0 = _p2(dl, cnt, x)
    acc1, m1 = _layer_mid(m0, sl, dl, cnt, s, x)
    acc2, m2 = _layer_mid(m1, sl, dl, cnt, s, acc1)
    acc3, user_embedding = _layer_last(m2, sl, dl, cnt, s, acc2, user_idx)
    item_embedding = acc3[N_USERS:]
    return (user_embedding, item_embedding)

# --- scband reference (transcript-rebuilt; emitter-appended) ---
"""Pipeline reference for scband-ord-rec-28956669510077 (READ-ONLY COPY).

The authoritative reference and input builder live on the scoring server;
editing this copy changes nothing except your own understanding.
"""

import jax, jax.numpy as jnp
import numpy as np

NUM_USERS = 3000
NUM_ITEMS = 7000
NUM_NODES = NUM_USERS + NUM_ITEMS
IN_CHANNEL = 128
NUM_LAYERS = 3
NUM_EDGES = 320000
BATCH = 4096


def setup_inputs(seed: int = 0) -> dict:
    key = jax.random.key(seed)
    k1, k2, k3 = jax.random.split(key, 3)
    # xavier_uniform on (NUM_NODES, IN_CHANNEL): fan_in=IN_CHANNEL, fan_out=NUM_NODES
    bound = float(np.sqrt(6.0 / (NUM_NODES + IN_CHANNEL)))
    x = jax.random.uniform(k1, (NUM_NODES, IN_CHANNEL), dtype=jnp.float32, minval=-bound, maxval=bound)
    user_idx = jax.random.randint(k2, (BATCH,), 0, NUM_USERS)
    edge_index = jax.random.randint(k3, (2, NUM_EDGES), 0, NUM_NODES)
    return {"x": x, "user_idx": user_idx, "edge_index": edge_index}


def gonn(x, edge_index):
    # GONN: graph-ODE / LightGCN-style propagation with symmetric degree
    # normalization, averaging embeddings over layers (layer-combination).
    src = edge_index[0]
    dst = edge_index[1]
    deg = jnp.zeros((NUM_NODES,), dtype=jnp.float32).at[dst].add(1.0)
    deg = jnp.clip(deg, 1.0, None)
    norm = jax.lax.rsqrt(deg[src]) * jax.lax.rsqrt(deg[dst])
    out = x
    acc = x
    for _ in range(NUM_LAYERS):
        msgs = out[src] * norm[:, None]
        out = jnp.zeros_like(x).at[dst].add(msgs)
        acc = acc + out
    return acc / float(NUM_LAYERS + 1)


def reference(x, user_idx, edge_index):
    all_embedding = gonn(x, edge_index)
    user_embedding = all_embedding[user_idx]
    item_embedding = all_embedding[NUM_USERS:]
    return (user_embedding, item_embedding)

if __name__ == "__main__":
    import jax
    _d = setup_inputs()
    print(jax.jit(kernel)(*tuple(_d.values())))

</pallas_src>

<mosaic_0001>
#map = affine_map<(d0, d1) -> (0)>
module attributes {stable_mosaic.version = 14 : i64} {
  func.func @k(%arg0: i32, %arg1: i32, %arg2: memref<320000xi32, #tpu.memory_space<hbm>>, %arg3: memref<320000xi32, #tpu.memory_space<hbm>>, %arg4: memref<1310720xi32, #tpu.memory_space<hbm>>, %arg5: memref<1310720xi32, #tpu.memory_space<hbm>>, %arg6: memref<2048xi32, #tpu.memory_space<hbm>>, %arg7: memref<10000xi32, #tpu.memory_space<vmem>>, %arg8: memref<10000xi32, #tpu.memory_space<vmem>>, %arg9: memref<10240xi32, #tpu.memory_space<vmem>>, %arg10: memref<10240xi32, #tpu.memory_space<vmem>>, %arg11: memref<10240xi32, #tpu.memory_space<vmem>>, %arg12: memref<10240xi32, #tpu.memory_space<vmem>>, %arg13: memref<10240xi32, #tpu.memory_space<vmem>>, %arg14: memref<10240xi32, #tpu.memory_space<vmem>>, %arg15: memref<10240xi32, #tpu.memory_space<vmem>>, %arg16: memref<10240xi32, #tpu.memory_space<vmem>>, %arg17: memref<16xi32, #tpu.memory_space<vmem>>) attributes {dimension_semantics = [#tpu.dimension_semantics<core_parallel>, #tpu.dimension_semantics<subcore_parallel>], iteration_bounds = array<i64: 2, 16>, scalar_prefetch = 0 : i64, scratch_operands = 11 : i64, tpu.core_type = #tpu.core_type<sc_vector_subcore>, window_params = [{transform_indices = #map}, {transform_indices = #map}, {transform_indices = #map}, {transform_indices = #map}, {transform_indices = #map}]} {
    %mul3A = arith.constant 16 : i32
    %mul3A_0 = arith.muli %arg0, %mul3A : i32
    %add3A = arith.addi %mul3A_0, %arg1 : i32
    %mul3A_1 = arith.constant 10000 : i32
    %mul3A_2 = arith.muli %add3A, %mul3A_1 : i32
    "tpu.region"() ({
      %run_scoped3A = tpu.sem_alloc : memref<!tpu.dma_semaphore, #tpu.memory_space<semaphore_mem>>
      %dma_start3A = tpu.memref_slice %arg2[%mul3A_2] : memref<320000xi32, #tpu.memory_space<hbm>> -> memref<10000xi32, #tpu.memory_space<hbm>>
      %dma_start3A_344 = tpu.memref_slice %arg2[%mul3A_2] : memref<320000xi32, #tpu.memory_space<hbm>> -> memref<10000xi32, #tpu.memory_space<hbm>>
      tpu.enqueue_dma source(%dma_start3A_344 : memref<10000xi32, #tpu.memory_space<hbm>>) target(%arg7 : memref<10000xi32, #tpu.memory_space<vmem>>) target_semaphore(%run_scoped3A : memref<!tpu.dma_semaphore, #tpu.memory_space<semaphore_mem>>)
      %dma_wait3A = tpu.memref_slice %arg2[%mul3A_2] : memref<320000xi32, #tpu.memory_space<hbm>> -> memref<10000xi32, #tpu.memory_space<hbm>>
      %dma_wait3A_345 = tpu.memref_slice %arg2[%mul3A_2] : memref<320000xi32, #tpu.memory_space<hbm>> -> memref<10000xi32, #tpu.memory_space<hbm>>
      tpu.wait_dma2 semaphore(%run_scoped3A : memref<!tpu.dma_semaphore, #tpu.memory_space<semaphore_mem>>) src(%dma_wait3A_345 : memref<10000xi32, #tpu.memory_space<hbm>>) dst(%arg7 : memref<10000xi32, #tpu.memory_space<vmem>>)
      tpu.yield
    }) : () -> ()
    %mul3A_3 = arith.constant 10000 : i32
    %mul3A_4 = arith.muli %add3A, %mul3A_3 : i32
    "tpu.region"() ({
      %run_scoped3A = tpu.sem_alloc : memref<!tpu.dma_semaphore, #tpu.memory_space<semaphore_mem>>
      %dma_start3A = tpu.memref_slice %arg3[%mul3A_4] : memref<320000xi32, #tpu.memory_space<hbm>> -> memref<10000xi32, #tpu.memory_space<hbm>>
      %dma_start3A_344 = tpu.memref_slice %arg3[%mul3A_4] : memref<320000xi32, #tpu.memory_space<hbm>> -> memref<10000xi32, #tpu.memory_space<hbm>>
      tpu.enqueue_dma source(%dma_start3A_344 : memref<10000xi32, #tpu.memory_space<hbm>>) target(%arg8 : memref<10000xi32, #tpu.memory_space<vmem>>) target_semaphore(%run_scoped3A : memref<!tpu.dma_semaphore, #tpu.memory_space<semaphore_mem>>)
      %dma_wait3A = tpu.memref_slice %arg3[%mul3A_4] : memref<320000xi32, #tpu.memory_space<hbm>> -> memref<10000xi32, #tpu.memory_space<hbm>>
      %dma_wait3A_345 = tpu.memref_slice %arg3[%mul3A_4] : memref<320000xi32, #tpu.memory_space<hbm>> -> memref<10000xi32, #tpu.memory_space<hbm>>
      tpu.wait_dma2 semaphore(%run_scoped3A : memref<!tpu.dma_semaphore, #tpu.memory_space<semaphore_mem>>) src(%dma_wait3A_345 : memref<10000xi32, #tpu.memory_space<hbm>>) dst(%arg8 : memref<10000xi32, #tpu.memory_space<vmem>>)
      tpu.yield
    }) : () -> ()
    %scan3A = arith.constant 0 : i32
    %scan3A_5 = arith.constant 0 : i32
    %scan3A_6 = arith.constant 0 : i32
    %scan3A_7 = arith.constant 0 : i32
    %scan3A_8 = arith.constant 0 : i32
    %scan3A_9 = arith.constant 625 : i32
    %scan3A_10 = arith.addi %scan3A_8, %scan3A_9 : i32
    %scan3A_11 = arith.constant 1 : i32
    %scan3A_12:4 = scf.for %scan3A_344 = %scan3A_8 to %scan3A_10 step %scan3A_11 iter_args(%scan3A_345 = %scan3A, %scan3A_346 = %scan3A_5, %scan3A_347 = %scan3A_6, %scan3A_348 = %scan3A_7) -> (i32, i32, i32, i32)  : i32 {
      %mul3A_349 = arith.constant 16 : i32
      %mul3A_350 = arith.muli %scan3A_344, %mul3A_349 : i32
      %get3A = arith.index_cast %mul3A_350 : i32 to index
      %get3A_351 = tpu.vector_load %arg7[%get3A] {strides = array<i32>} : memref<10000xi32, #tpu.memory_space<vmem>>, vector<16xi32>,
      %mul3A_352 = arith.constant 16 : i32
      %mul3A_353 = arith.muli %scan3A_344, %mul3A_352 : i32
      %get3A_354 = arith.index_cast %mul3A_353 : i32 to index
      %get3A_355 = tpu.vector_load %arg8[%get3A_354] {strides = array<i32>} : memref<10000xi32, #tpu.memory_space<vmem>>, vector<16xi32>,
      %lt3A = arith.constant 5000 : i32
      %lt3A_356 = vector.broadcast %lt3A : i32 to vector<16xi32>
      %lt3A_357 = arith.cmpi slt, %get3A_355, %lt3A_356 : vector<16xi32>
      %lt3A_358 = arith.constant 5000 : i32
      %lt3A_359 = vector.broadcast %lt3A_358 : i32 to vector<16xi32>
      %lt3A_360 = arith.cmpi slt, %get3A_351, %lt3A_359 : vector<16xi32>
      %and3A = arith.andi %lt3A_357, %lt3A_360 : vector<16xi1>
      %not3A = arith.constant dense<true> : vector<16xi1>
      %not3A_361 = arith.xori %lt3A_360, %not3A : vector<16xi1>
      %and3A_362 = arith.andi %lt3A_357, %not3A_361 : vector<16xi1>
      %not3A_363 = arith.constant dense<true> : vector<16xi1>
      %not3A_364 = arith.xori %lt3A_357, %not3A_363 : vector<16xi1>
      %not3A_365 = arith.constant dense<true> : vector<16xi1>
      %not3A_366 = arith.xori %lt3A_360, %not3A_365 : vector<16xi1>
      %and3A_367 = arith.andi %not3A_364, %not3A_366 : vector<16xi1>
      %not3A_368 = arith.constant dense<true> : vector<16xi1>
      %not3A_369 = arith.xori %lt3A_357, %not3A_368 : vector<16xi1>
      %and3A_370 = arith.andi %not3A_369, %lt3A_360 : vector<16xi1>
      %swap3A_371 = arith.index_cast %scan3A_345 : i32 to index
      %swap3A_372 = tpu.vector_load %arg9[%swap3A_371] masked %and3A {strides = array<i32>} : memref<10240xi32, #tpu.memory_space<vmem>>, vector<16xi32>, vector<16xi1>
      tpu.vector_store %arg9[%swap3A_371], %get3A_351 masked %and3A {strides = array<i32>} : memref<10240xi32, #tpu.memory_space<vmem>>, vector<16xi32>, vector<16xi1>
      %swap3A_373 = arith.index_cast %scan3A_345 : i32 to index
      %swap3A_374 = tpu.vector_load %arg10[%swap3A_373] masked %and3A {strides = array<i32>} : memref<10240xi32, #tpu.memory_space<vmem>>, vector<16xi32>, vector<16xi1>
      tpu.vector_store %arg10[%swap3A_373], %get3A_355 masked %and3A {strides = array<i32>} : memref<10240xi32, #tpu.memory_space<vmem>>, vector<16xi32>, vector<16xi1>
      %swap3A_375 = arith.index_cast %scan3A_346 : i32 to index
      %swap3A_376 = tpu.vector_load %arg11[%swap3A_375] masked %and3A_362 {strides = array<i32>} : memref<10240xi32, #tpu.memory_space<vmem>>, vector<16xi32>, vector<16xi1>
      tpu.vector_store %arg11[%swap3A_375], %get3A_351 masked %and3A_362 {strides = array<i32>} : memref<10240xi32, #tpu.memory_space<vmem>>, vector<16xi32>, vector<16xi1>
      %swap3A_377 = arith.index_cast %scan3A_346 : i32 to index
      %swap3A_378 = tpu.vector_load %arg12[%swap3A_377] masked %and3A_362 {strides = array<i32>} : memref<10240xi32, #tpu.memory_space<vmem>>, vector<16xi32>, vector<16xi1>
      tpu.vector_store %arg12[%swap3A_377], %get3A_355 masked %and3A_362 {strides = array<i32>} : memref<10240xi32, #tpu.memory_space<vmem>>, vector<16xi32>, vector<16xi1>
      %sub3A = arith.constant 5000 : i32
      %sub3A_379 = vector.broadcast %sub3A : i32 to vector<16xi32>
      %sub3A_380 = arith.subi %get3A_351, %sub3A_379 : vector<16xi32>
      %swap3A_381 = arith.index_cast %scan3A_347 : i32 to index
      %swap3A_382 = tpu.vector_load %arg13[%swap3A_381] masked %and3A_367 {strides = array<i32>} : memref<10240xi32, #tpu.memory_space<vmem>>, vector<16xi32>, vector<16xi1>
      tpu.vector_store %arg13[%swap3A_381], %sub3A_380 masked %and3A_367 {strides = array<i32>} : memref<10240xi32, #tpu.memory_space<vmem>>, vector<16xi32>, vector<16xi1>
      %sub3A_383 = arith.constant 5000 : i32
      %sub3A_384 = vector.broadcast %sub3A_383 : i32 to vector<16xi32>
      %sub3A_385 = arith.subi %get3A_355, %sub3A_384 : vector<16xi32>
      %swap3A_386 = arith.index_cast %scan3A_347 : i32 to index
      %swap3A_387 = tpu.vector_load %arg14[%swap3A_386] masked %and3A_367 {strides = array<i32>} : memref<10240xi32, #tpu.memory_space<vmem>>, vector<16xi32>, vector<16xi1>
      tpu.vector_store %arg14[%swap3A_386], %sub3A_385 masked %and3A_367 {strides = array<i32>} : memref<10240xi32, #tpu.memory_space<vmem>>, vector<16xi32>, vector<16xi1>
      %swap3A_388 = arith.index_cast %scan3A_348 : i32 to index
      %swap3A_389 = tpu.vector_load %arg15[%swap3A_388] masked %and3A_370 {strides = array<i32>} : memref<10240xi32, #tpu.memory_space<vmem>>, vector<16xi32>, vector<16xi1>
      tpu.vector_store %arg15[%swap3A_388], %get3A_351 masked %and3A_370 {strides = array<i32>} : memref<10240xi32, #tpu.memory_space<vmem>>, vector<16xi32>, vector<16xi1>
      %sub3A_390 = arith.constant 5000 : i32
      %sub3A_391 = vector.broadcast %sub3A_390 : i32 to vector<16xi32>
      %sub3A_392 = arith.subi %get3A_355, %sub3A_391 : vector<16xi32>
      %swap3A_393 = arith.index_cast %scan3A_348 : i32 to index
      %swap3A_394 = tpu.vector_load %arg16[%swap3A_393] masked %and3A_370 {strides = array<i32>} : memref<10240xi32, #tpu.memory_space<vmem>>, vector<16xi32>, vector<16xi1>
      tpu.vector_store %arg16[%swap3A_393], %sub3A_392 masked %and3A_370 {strides = array<i32>} : memref<10240xi32, #tpu.memory_space<vmem>>, vector<16xi32>, vector<16xi1>
      %all_reduce_population_count3A = tpu.all_reduce %and3A {dim = 0 : i64, kind = #tpu.reduction_kind<sum>} : vector<16xi1> -> vector<16xi32>
      %slice3A = vector.extract_strided_slice %all_reduce_population_count3A {offsets = [0], sizes = [1], strides = [1]} : vector<16xi32> to vector<1xi32>
      %squeeze3A = vector.extract %slice3A[0] : i32 from vector<1xi32>
      %add3A_395 = arith.addi %scan3A_345, %squeeze3A : i32
      %all_reduce_population_count3A_396 = tpu.all_reduce %and3A_362 {dim = 0 : i64, kind = #tpu.reduction_kind<sum>} : vector<16xi1> -> vector<16xi32>
      %slice3A_397 = vector.extract_strided_slice %all_reduce_population_count3A_396 {offsets = [0], sizes = [1], strides = [1]} : vector<16xi32> to vector<1xi32>
      %squeeze3A_398 = vector.extract %slice3A_397[0] : i32 from vector<1xi32>
      %add3A_399 = arith.addi %scan3A_346, %squeeze3A_398 : i32
      %all_reduce_population_count3A_400 = tpu.all_reduce %and3A_367 {dim = 0 : i64, kind = #tpu.reduction_kind<sum>} : vector<16xi1> -> vector<16xi32>
      %slice3A_401 = vector.extract_strided_slice %all_reduce_population_count3A_400 {offsets = [0], sizes = [1], strides = [1]} : vector<16xi32> to vector<1xi32>
      %squeeze3A_402 = vector.extract %slice3A_401[0] : i32 from vector<1xi32>
      %add3A_403 = arith.addi %scan3A_347, %squeeze3A_402 : i32
      %all_reduce_population_count3A_404 = tpu.all_reduce %and3A_370 {dim = 0 : i64, kind = #tpu.reduction_kind<sum>} : vector<16xi1> -> vector<16xi32>
      %slice3A_405 = vector.extract_strided_slice %all_reduce_population_count3A_404 {offsets = [0], sizes = [1], strides = [1]} : vector<16xi32> to vector<1xi32>
      %squeeze3A_406 = vector.extract %slice3A_405[0] : i32 from vector<1xi32>
      %add3A_407 = arith.addi %scan3A_348, %squeeze3A_406 : i32
      scf.yield %add3A_395, %add3A_399, %add3A_403, %add3A_407 : i32, i32, i32, i32
    }
    %scan3A_13 = arith.constant 625 : i32
    %broadcast_in_dim3A = arith.constant 0 : i32
    %broadcast_in_dim3A_14 = vector.broadcast %broadcast_in_dim3A : i32 to vector<16xi32>
    %broadcast_in_dim3A_15 = arith.constant 5000 : i32
    %broadcast_in_dim3A_16 = vector.broadcast %broadcast_in_dim3A_15 : i32 to vector<16xi32>
    %add3A_17 = arith.constant 0 : i32
    %add3A_18 = arith.addi %scan3A_12#0, %add3A_17 : i32
    %swap3A = arith.index_cast %add3A_18 : i32 to index
    %swap3A_19 = tpu.vector_load %arg9[%swap3A] {strides = array<i32>} : memref<10240xi32, #tpu.memory_space<vmem>>, vector<16xi32>,
    tpu.vector_store %arg9[%swap3A], %broadcast_in_dim3A_14 {strides = array<i32>} : memref<10240xi32, #tpu.memory_space<vmem>>, vector<16xi32>,
    %add3A_20 = arith.constant 0 : i32
    %add3A_21 = arith.addi %scan3A_12#0, %add3A_20 : i32
    %swap3A_22 = arith.index_cast %add3A_21 : i32 to index
    %swap3A_23 = tpu.vector_load %arg10[%swap3A_22] {strides = array<i32>} : memref<10240xi32, #tpu.memory_space<vmem>>, vector<16xi32>,
    tpu.vector_store %arg10[%swap3A_22], %broadcast_in_dim3A_16 {strides = array<i32>} : memref<10240xi32, #tpu.memory_space<vmem>>, vector<16xi32>,
    %add3A_24 = arith.constant 16 : i32
    %add3A_25 = arith.addi %scan3A_12#0, %add3A_24 : i32
    %swap3A_26 = arith.index_cast %add3A_25 : i32 to index
    %swap3A_27 = tpu.vector_load %arg9[%swap3A_26] {strides = array<i32>} : memref<10240xi32, #tpu.memory_space<vmem>>, vector<16xi32>,
    tpu.vector_store %arg9[%swap3A_26], %broadcast_in_dim3A_14 {strides = array<i32>} : memref<10240xi32, #tpu.memory_space<vmem>>, vector<16xi32>,
    %add3A_28 = arith.constant 16 : i32
    %add3A_29 = arith.addi %scan3A_12#0, %add3A_28 : i32
    %swap3A_30 = arith.index_cast %add3A_29 : i32 to index
    %swap3A_31 = tpu.vector_load %arg10[%swap3A_30] {strides = array<i32>} : memref<10240xi32, #tpu.memory_space<vmem>>, vector<16xi32>,
    tpu.vector_store %arg10[%swap3A_30], %broadcast_in_dim3A_16 {strides = array<i32>} : memref<10240xi32, #tpu.memory_space<vmem>>, vector<16xi32>,
    %add3A_32 = arith.constant 32 : i32
    %add3A_33 = arith.addi %scan3A_12#0, %add3A_32 : i32
    %swap3A_34 = arith.index_cast %add3A_33 : i32 to index
    %swap3A_35 = tpu.vector_load %arg9[%swap3A_34] {strides = array<i32>} : memref<10240xi32, #tpu.memory_space<vmem>>, vector<16xi32>,
    tpu.vector_store %arg9[%swap3A_34], %broadcast_in_dim3A_14 {strides = array<i32>} : memref<10240xi32, #tpu.memory_space<vmem>>, vector<16xi32>,
    %add3A_36 = arith.constant 32 : i32
    %add3A_37 = arith.addi %scan3A_12#0, %add3A_36 : i32
    %swap3A_38 = arith.index_cast %add3A_37 : i32 to index
    %swap3A_39 = tpu.vector_load %arg10[%swap3A_38] {strides = array<i32>} : memref<10240xi32, #tpu.memory_space<vmem>>, vector<16xi32>,
    tpu.vector_store %arg10[%swap3A_38], %broadcast_in_dim3A_16 {strides = array<i32>} : memref<10240xi32, #tpu.memory_space<vmem>>, vector<16xi32>,
    %add3A_40 = arith.constant 48 : i32
    %add3A_41 = arith.addi %scan3A_12#0, %add3A_40 : i32
    %swap3A_42 = arith.index_cast %add3A_41 : i32 to index
    %swap3A_43 = tpu.vector_load %arg9[%swap3A_42] {strides = array<i32>} : memref<10240xi32, #tpu.memory_space<vmem>>, vector<16xi32>,
    tpu.vector_store %arg9[%swap3A_42], %broadcast_in_dim3A_14 {strides = array<i32>} : memref<10240xi32, #tpu.memory_space<vmem>>, vector<16xi32>,
    %add3A_44 = arith.constant 48 : i32
    %add3A_45 = arith.addi %scan3A_12#0, %add3A_44 : i32
    %swap3A_46 = arith.index_cast %add3A_45 : i32 to index
    %swap3A_47 = tpu.vector_load %arg10[%swap3A_46] {strides = array<i32>} : memref<10240xi32, #tpu.memory_space<vmem>>, vector<16xi32>,
    tpu.vector_store %arg10[%swap3A_46], %broadcast_in_dim3A_16 {strides = array<i32>} : memref<10240xi32, #tpu.memory_space<vmem>>, vector<16xi32>,
    %add3A_48 = arith.constant 64 : i32
    %add3A_49 = arith.addi %scan3A_12#0, %add3A_48 : i32
    %swap3A_50 = arith.index_cast %add3A_49 : i32 to index
    %swap3A_51 = tpu.vector_load %arg9[%swap3A_50] {strides = array<i32>} : memref<10240xi32, #tpu.memory_space<vmem>>, vector<16xi32>,
    tpu.vector_store %arg9[%swap3A_50], %broadcast_in_dim3A_14 {strides = array<i32>} : memref<10240xi32, #tpu.memory_space<vmem>>, vector<16xi32>,
    %add3A_52 = arith.constant 64 : i32
    %add3A_53 = arith.addi %scan3A_12#0, %add3A_52 : i32
    %swap3A_54 = arith.index_cast %add3A_53 : i32 to index
    %swap3A_55 = tpu.vector_load %arg10[%swap3A_54] {strides = array<i32>} : memref<10240xi32, #tpu.memory_space<vmem>>, vector<16xi32>,
    tpu.vector_store %arg10[%swap3A_54], %broadcast_in_dim3A_16 {strides = array<i32>} : memref<10240xi32, #tpu.memory_space<vmem>>, vector<16xi32>,
    %add3A_56 = arith.constant 80 : i32
    %add3A_57 = arith.addi %scan3A_12#0, %add3A_56 : i32
    %swap3A_58 = arith.index_cast %add3A_57 : i32 to index
    %swap3A_59 = tpu.vector_load %arg9[%swap3A_58] {strides = array<i32>} : memref<10240xi32, #tpu.memory_space<vmem>>, vector<16xi32>,
    tpu.vector_store %arg9[%swap3A_58], %broadcast_in_dim3A_14 {strides = array<i32>} : memref<10240xi32, #tpu.memory_space<vmem>>, vector<16xi32>,
    %add3A_60 = arith.constant 80 : i32
    %add3A_61 = arith.addi %scan3A_12#0, %add3A_60 : i32
    %swap3A_62 = arith.index_cast %add3A_61 : i32 to index
    %swap3A_63 = tpu.vector_load %arg10[%swap3A_62] {strides = array<i32>} : memref<10240xi32, #tpu.memory_space<vmem>>, vector<16xi32>,
    tpu.vector_store %arg10[%swap3A_62], %broadcast_in_dim3A_16 {strides = array<i32>} : memref<10240xi32, #tpu.memory_space<vmem>>, vector<16xi32>,
    %add3A_64 = arith.constant 96 : i32
    %add3A_65 = arith.addi %scan3A_12#0, %add3A_64 : i32
    %swap3A_66 = arith.index_cast %add3A_65 : i32 to index
    %swap3A_67 = tpu.vector_load %arg9[%swap3A_66] {strides = array<i32>} : memref<10240xi32, #tpu.memory_space<vmem>>, vector<16xi32>,
    tpu.vector_store %arg9[%swap3A_66], %broadcast_in_dim3A_14 {strides = array<i32>} : memref<10240xi32, #tpu.memory_space<vmem>>, vector<16xi32>,
    %add3A_68 = arith.constant 96 : i32
    %add3A_69 = arith.addi %scan3A_12#0, %add3A_68 : i32
    %swap3A_70 = arith.index_cast %add3A_69 : i32 to index
    %swap3A_71 = tpu.vector_load %arg10[%swap3A_70] {strides = array<i32>} : memref<10240xi32, #tpu.memory_space<vmem>>, vector<16xi32>,
    tpu.vector_store %arg10[%swap3A_70], %broadcast_in_dim3A_16 {strides = array<i32>} : memref<10240xi32, #tpu.memory_space<vmem>>, vector<16xi32>,
    %add3A_72 = arith.constant 112 : i32
    %add3A_73 = arith.addi %scan3A_12#0, %add3A_72 : i32
    %swap3A_74 = arith.index_cast %add3A_73 : i32 to index
    %swap3A_75 = tpu.vector_load %arg9[%swap3A_74] {strides = array<i32>} : memref<10240xi32, #tpu.memory_space<vmem>>, vector<16xi32>,
    tpu.vector_store %arg9[%swap3A_74], %broadcast_in_dim3A_14 {strides = array<i32>} : memref<10240xi32, #tpu.memory_space<vmem>>, vector<16xi32>,
    %add3A_76 = arith.constant 112 : i32
    %add3A_77 = arith.addi %scan3A_12#0, %add3A_76 : i32
    %swap3A_78 = arith.index_cast %add3A_77 : i32 to index
    %swap3A_79 = tpu.vector_load %arg10[%swap3A_78] {strides = array<i32>} : memref<10240xi32, #tpu.memory_space<vmem>>, vector<16xi32>,
    tpu.vector_store %arg10[%swap3A_78], %broadcast_in_dim3A_16 {strides = array<i32>} : memref<10240xi32, #tpu.memory_space<vmem>>, vector<16xi32>,
    %add3A_80 = arith.constant 0 : i32
    %add3A_81 = arith.addi %scan3A_12#1, %add3A_80 : i32
    %swap3A_82 = arith.index_cast %add3A_81 : i32 to index
    %swap3A_83 = tpu.vector_load %arg11[%swap3A_82] {strides = array<i32>} : memref<10240xi32, #tpu.memory_space<vmem>>, vector<16xi32>,
    tpu.vector_store %arg11[%swap3A_82], %broadcast_in_dim3A_14 {strides = array<i32>} : memref<10240xi32, #tpu.memory_space<vmem>>, vector<16xi32>,
    %add3A_84 = arith.constant 0 : i32
    %add3A_85 = arith.addi %scan3A_12#1, %add3A_84 : i32
    %swap3A_86 = arith.index_cast %add3A_85 : i32 to index
    %swap3A_87 = tpu.vector_load %arg12[%swap3A_86] {strides = array<i32>} : memref<10240xi32, #tpu.memory_space<vmem>>, vector<16xi32>,
    tpu.vector_store %arg12[%swap3A_86], %broadcast_in_dim3A_16 {strides = array<i32>} : memref<10240xi32, #tpu.memory_space<vmem>>, vector<16xi32>,
    %add3A_88 = arith.constant 16 : i32
    %add3A_89 = arith.addi %scan3A_12#1, %add3A_88 : i32
    %swap3A_90 = arith.index_cast %add3A_89 : i32 to index
    %swap3A_91 = tpu.vector_load %arg11[%swap3A_90] {strides = array<i32>} : memref<10240xi32, #tpu.memory_space<vmem>>, vector<16xi32>,
    tpu.vector_store %arg11[%swap3A_90], %broadcast_in_dim3A_14 {strides = array<i32>} : memref<10240xi32, #tpu.memory_space<vmem>>, vector<16xi32>,
    %add3A_92 = arith.constant 16 : i32
    %add3A_93 = arith.addi %scan3A_12#1, %add3A_92 : i32
    %swap3A_94 = arith.index_cast %add3A_93 : i32 to index
    %swap3A_95 = tpu.vector_load %arg12[%swap3A_94] {strides = array<i32>} : memref<10240xi32, #tpu.memory_space<vmem>>, vector<16xi32>,
    tpu.vector_store %arg12[%swap3A_94], %broadcast_in_dim3A_16 {strides = array<i32>} : memref<10240xi32, #tpu.memory_space<vmem>>, vector<16xi32>,
    %add3A_96 = arith.constant 32 : i32
    %add3A_97 = arith.addi %scan3A_12#1, %add3A_96 : i32
    %swap3A_98 = arith.index_cast %add3A_97 : i32 to index
    %swap3A_99 = tpu.vector_load %arg11[%swap3A_98] {strides = array<i32>} : memref<10240xi32, #tpu.memory_space<vmem>>, vector<16xi32>,
    tpu.vector_store %arg11[%swap3A_98], %broadcast_in_dim3A_14 {strides = array<i32>} : memref<10240xi32, #tpu.memory_space<vmem>>, vector<16xi32>,
    %add3A_100 = arith.constant 32 : i32
    %add3A_101 = arith.addi %scan3A_12#1, %add3A_100 : i32
    %swap3A_102 = arith.index_cast %add3A_101 : i32 to index
    %swap3A_103 = tpu.vector_load %arg12[%swap3A_102] {strides = array<i32>} : memref<10240xi32, #tpu.memory_space<vmem>>, vector<16xi32>,
    tpu.vector_store %arg12[%swap3A_102], %broadcast_in_dim3A_16 {strides = array<i32>} : memref<10240xi32, #tpu.memory_space<vmem>>, vector<16xi32>,
    %add3A_104 = arith.constant 48 : i32
    %add3A_105 = arith.addi %scan3A_12#1, %add3A_104 : i32
    %swap3A_106 = arith.index_cast %add3A_105 : i32 to index
    %swap3A_107 = tpu.vector_load %arg11[%swap3A_106] {strides = array<i32>} : memref<10240xi32, #tpu.memory_space<vmem>>, vector<16xi32>,
    tpu.vector_store %arg11[%swap3A_106], %broadcast_in_dim3A_14 {strides = array<i32>} : memref<10240xi32, #tpu.memory_space<vmem>>, vector<16xi32>,
    %add3A_108 = arith.constant 48 : i32
    %add3A_109 = arith.addi %scan3A_12#1, %add3A_108 : i32
    %swap3A_110 = arith.index_cast %add3A_109 : i32 to index
    %swap3A_111 = tpu.vector_load %arg12[%swap3A_110] {strides = array<i32>} : memref<10240xi32, #tpu.memory_space<vmem>>, vector<16xi32>,
    tpu.vector_store %arg12[%swap3A_110], %broadcast_in_dim3A_16 {strides = array<i32>} : memref<10240xi32, #tpu.memory_space<vmem>>, vector<16xi32>,
    %add3A_112 = arith.constant 64 : i32
    %add3A_113 = arith.addi %scan3A_12#1, %add3A_112 : i32
    %swap3A_114 = arith.index_cast %add3A_113 : i32 to index
    %swap3A_115 = tpu.vector_load %arg11[%swap3A_114] {strides = array<i32>} : memref<10240xi32, #tpu.memory_space<vmem>>, vector<16xi32>,
    tpu.vector_store %arg11[%swap3A_114], %broadcast_in_dim3A_14 {strides = array<i32>} : memref<10240xi32, #tpu.memory_space<vmem>>, vector<16xi32>,
    %add3A_116 = arith.constant 64 : i32
    %add3A_117 = arith.addi %scan3A_12#1, %add3A_116 : i32
    %swap3A_118 = arith.index_cast %add3A_117 : i32 to index
    %swap3A_119 = tpu.vector_load %arg12[%swap3A_118] {strides = array<i32>} : memref<10240xi32, #tpu.memory_space<vmem>>, vector<16xi32>,
    tpu.vector_store %arg12[%swap3A_118], %broadcast_in_dim3A_16 {strides = array<i32>} : memref<10240xi32, #tpu.memory_space<vmem>>, vector<16xi32>,
    %add3A_120 = arith.constant 80 : i32
    %add3A_121 = arith.addi %scan3A_12#1, %add3A_120 : i32
    %swap3A_122 = arith.index_cast %add3A_121 : i32 to index
    %swap3A_123 = tpu.vector_load %arg11[%swap3A_122] {strides = array<i32>} : memref<10240xi32, #tpu.memory_space<vmem>>, vector<16xi32>,
    tpu.vector_store %arg11[%swap3A_122], %broadcast_in_dim3A_14 {strides = array<i32>} : memref<10240xi32, #tpu.memory_space<vmem>>, vector<16xi32>,
    %add3A_124 = arith.constant 80 : i32
    %add3A_125 = arith.addi %scan3A_12#1, %add3A_124 : i32
    %swap3A_126 = arith.index_cast %add3A_125 : i32 to index
    %swap3A_127 = tpu.vector_load %arg12[%swap3A_126] {strides = array<i32>} : memref<10240xi32, #tpu.memory_space<vmem>>, vector<16xi32>,
    tpu.vector_store %arg12[%swap3A_126], %broadcast_in_dim3A_16 {strides = array<i32>} : memref<10240xi32, #tpu.memory_space<vmem>>, vector<16xi32>,
    %add3A_128 = arith.constant 96 : i32
    %add3A_129 = arith.addi %scan3A_12#1, %add3A_128 : i32
    %swap3A_130 = arith.index_cast %add3A_129 : i32 to index
    %swap3A_131 = tpu.vector_load %arg11[%swap3A_130] {strides = array<i32>} : memref<10240xi32, #tpu.memory_space<vmem>>, vector<16xi32>,
    tpu.vector_store %arg11[%swap3A_130], %broadcast_in_dim3A_14 {strides = array<i32>} : memref<10240xi32, #tpu.memory_space<vmem>>, vector<16xi32>,
    %add3A_132 = arith.constant 96 : i32
    %add3A_133 = arith.addi %scan3A_12#1, %add3A_132 : i32
    %swap3A_134 = arith.index_cast %add3A_133 : i32 to index
    %swap3A_135 = tpu.vector_load %arg12[%swap3A_134] {strides = array<i32>} : memref<10240xi32, #tpu.memory_space<vmem>>, vector<16xi32>,
    tpu.vector_store %arg12[%swap3A_134], %broadcast_in_dim3A_16 {strides = array<i32>} : memref<10240xi32, #tpu.memory_space<vmem>>, vector<16xi32>,
    %add3A_136 = arith.constant 112 : i32
    %add3A_137 = arith.addi %scan3A_12#1, %add3A_136 : i32
    %swap3A_138 = arith.index_cast %add3A_137 : i32 to index
    %swap3A_139 = tpu.vector_load %arg11[%swap3A_138] {strides = array<i32>} : memref<10240xi32, #tpu.memory_space<vmem>>, vector<16xi32>,
    tpu.vector_store %arg11[%swap3A_138], %broadcast_in_dim3A_14 {strides = array<i32>} : memref<10240xi32, #tpu.memory_space<vmem>>, vector<16xi32>,
    %add3A_140 = arith.constant 112 : i32
    %add3A_141 = arith.addi %scan3A_12#1, %add3A_140 : i32
    %swap3A_142 = arith.index_cast %add3A_141 : i32 to index
    %swap3A_143 = tpu.vector_load %arg12[%swap3A_142] {strides = array<i32>} : memref<10240xi32, #tpu.memory_space<vmem>>, vector<16xi32>,
    tpu.vector_store %arg12[%swap3A_142], %broadcast_in_dim3A_16 {strides = array<i32>} : memref<10240xi32, #tpu.memory_space<vmem>>, vector<16xi32>,
    %add3A_144 = arith.constant 0 : i32
    %add3A_145 = arith.addi %scan3A_12#2, %add3A_144 : i32
    %swap3A_146 = arith.index_cast %add3A_145 : i32 to index
    %swap3A_147 = tpu.vector_load %arg13[%swap3A_146] {strides = array<i32>} : memref<10240xi32, #tpu.memory_space<vmem>>, vector<16xi32>,
    tpu.vector_store %arg13[%swap3A_146], %broadcast_in_dim3A_14 {strides = array<i32>} : memref<10240xi32, #tpu.memory_space<vmem>>, vector<16xi32>,
    %add3A_148 = arith.constant 0 : i32
    %add3A_149 = arith.addi %scan3A_12#2, %add3A_148 : i32
    %swap3A_150 = arith.index_cast %add3A_149 : i32 to index
    %swap3A_151 = tpu.vector_load %arg14[%swap3A_150] {strides = array<i32>} : memref<10240xi32, #tpu.memory_space<vmem>>, vector<16xi32>,
    tpu.vector_store %arg14[%swap3A_150], %broadcast_in_dim3A_16 {strides = array<i32>} : memref<10240xi32, #tpu.memory_space<vmem>>, vector<16xi32>,
    %add3A_152 = arith.constant 16 : i32
    %add3A_153 = arith.addi %scan3A_12#2, %add3A_152 : i32
    %swap3A_154 = arith.index_cast %add3A_153 : i32 to index
    %swap3A_155 = tpu.vector_load %arg13[%swap3A_154] {strides = array<i32>} : memref<10240xi32, #tpu.memory_space<vmem>>, vector<16xi32>,
    tpu.vector_store %arg13[%swap3A_154], %broadcast_in_dim3A_14 {strides = array<i32>} : memref<10240xi32, #tpu.memory_space<vmem>>, vector<16xi32>,
    %add3A_156 = arith.constant 16 : i32
    %add3A_157 = arith.addi %scan3A_12#2, %add3A_156 : i32
    %swap3A_158 = arith.index_cast %add3A_157 : i32 to index
    %swap3A_159 = tpu.vector_load %arg14[%swap3A_158] {strides = array<i32>} : memref<10240xi32, #tpu.memory_space<vmem>>, vector<16xi32>,
    tpu.vector_store %arg14[%swap3A_158], %broadcast_in_dim3A_16 {strides = array<i32>} : memref<10240xi32, #tpu.memory_space<vmem>>, vector<16xi32>,
    %add3A_160 = arith.constant 32 : i32
    %add3A_161 = arith.addi %scan3A_12#2, %add3A_160 : i32
    %swap3A_162 = arith.index_cast %add3A_161 : i32 to index
    %swap3A_163 = tpu.vector_load %arg13[%swap3A_162] {strides = array<i32>} : memref<10240xi32, #tpu.memory_space<vmem>>, vector<16xi32>,
    tpu.vector_store %arg13[%swap3A_162], %broadcast_in_dim3A_14 {strides = array<i32>} : memref<10240xi32, #tpu.memory_space<vmem>>, vector<16xi32>,
    %add3A_164 = arith.constant 32 : i32
    %add3A_165 = arith.addi %scan3A_12#2, %add3A_164 : i32
    %swap3A_166 = arith.index_cast %add3A_165 : i32 to index
    %swap3A_167 = tpu.vector_load %arg14[%swap3A_166] {strides = array<i32>} : memref<10240xi32, #tpu.memory_space<vmem>>, vector<16xi32>,
    tpu.vector_store %arg14[%swap3A_166], %broadcast_in_dim3A_16 {strides = array<i32>} : memref<10240xi32, #tpu.memory_space<vmem>>, vector<16xi32>,
    %add3A_168 = arith.constant 48 : i32
    %add3A_169 = arith.addi %scan3A_12#2, %add3A_168 : i32
    %swap3A_170 = arith.index_cast %add3A_169 : i32 to index
    %swap3A_171 = tpu.vector_load %arg13[%swap3A_170] {strides = array<i32>} : memref<10240xi32, #tpu.memory_space<vmem>>, vector<16xi32>,
    tpu.vector_store %arg13[%swap3A_170], %broadcast_in_dim3A_14 {strides = array<i32>} : memref<10240xi32, #tpu.memory_space<vmem>>, vector<16xi32>,
    %add3A_172 = arith.constant 48 : i32
    %add3A_173 = arith.addi %scan3A_12#2, %add3A_172 : i32
    %swap3A_174 = arith.index_cast %add3A_173 : i32 to index
    %swap3A_175 = tpu.vector_load %arg14[%swap3A_174] {strides = array<i32>} : memref<10240xi32, #tpu.memory_space<vmem>>, vector<16xi32>,
    tpu.vector_store %arg14[%swap3A_174], %broadcast_in_dim3A_16 {strides = array<i32>} : memref<10240xi32, #tpu.memory_space<vmem>>, vector<16xi32>,
    %add3A_176 = arith.constant 64 : i32
    %add3A_177 = arith.addi %scan3A_12#2, %add3A_176 : i32
    %swap3A_178 = arith.index_cast %add3A_177 : i32 to index
    %swap3A_179 = tpu.vector_load %arg13[%swap3A_178] {strides = array<i32>} : memref<10240xi32, #tpu.memory_space<vmem>>, vector<16xi32>,
    tpu.vector_store %arg13[%swap3A_178], %broadcast_in_dim3A_14 {strides = array<i32>} : memref<10240xi32, #tpu.memory_space<vmem>>, vector<16xi32>,
    %add3A_180 = arith.constant 64 : i32
    %add3A_181 = arith.addi %scan3A_12#2, %add3A_180 : i32
    %swap3A_182 = arith.index_cast %add3A_181 : i32 to index
    %swap3A_183 = tpu.vector_load %arg14[%swap3A_182] {strides = array<i32>} : memref<10240xi32, #tpu.memory_space<vmem>>, vector<16xi32>,
    tpu.vector_store %arg14[%swap3A_182], %broadcast_in_dim3A_16 {strides = array<i32>} : memref<10240xi32, #tpu.memory_space<vmem>>, vector<16xi32>,
    %add3A_184 = arith.constant 80 : i32
    %add3A_185 = arith.addi %scan3A_12#2, %add3A_184 : i32
    %swap3A_186 = arith.index_cast %add3A_185 : i32 to index
    %swap3A_187 = tpu.vector_load %arg13[%swap3A_186] {strides = array<i32>} : memref<10240xi32, #tpu.memory_space<vmem>>, vector<16xi32>,
    tpu.vector_store %arg13[%swap3A_186], %broadcast_in_dim3A_14 {strides = array<i32>} : memref<10240xi32, #tpu.memory_space<vmem>>, vector<16xi32>,
    %add3A_188 = arith.constant 80 : i32
    %add3A_189 = arith.addi %scan3A_12#2, %add3A_188 : i32
    %swap3A_190 = arith.index_cast %add3A_189 : i32 to index
    %swap3A_191 = tpu.vector_load %arg14[%swap3A_190] {strides = array<i32>} : memref<10240xi32, #tpu.memory_space<vmem>>, vector<16xi32>,
    tpu.vector_store %arg14[%swap3A_190], %broadcast_in_dim3A_16 {strides = array<i32>} : memref<10240xi32, #tpu.memory_space<vmem>>, vector<16xi32>,
    %add3A_192 = arith.constant 96 : i32
    %add3A_193 = arith.addi %scan3A_12#2, %add3A_192 : i32
    %swap3A_194 = arith.index_cast %add3A_193 : i32 to index
    %swap3A_195 = tpu.vector_load %arg13[%swap3A_194] {strides = array<i32>} : memref<10240xi32, #tpu.memory_space<vmem>>, vector<16xi32>,
    tpu.vector_store %arg13[%swap3A_194], %broadcast_in_dim3A_14 {strides = array<i32>} : memref<10240xi32, #tpu.memory_space<vmem>>, vector<16xi32>,
    %add3A_196 = arith.constant 96 : i32
    %add3A_197 = arith.addi %scan3A_12#2, %add3A_196 : i32
    %swap3A_198 = arith.index_cast %add3A_197 : i32 to index
    %swap3A_199 = tpu.vector_load %arg14[%swap3A_198] {strides = array<i32>} : memref<10240xi32, #tpu.memory_space<vmem>>, vector<16xi32>,
    tpu.vector_store %arg14[%swap3A_198], %broadcast_in_dim3A_16 {strides = array<i32>} : memref<10240xi32, #tpu.memory_space<vmem>>, vector<16xi32>,
    %add3A_200 = arith.constant 112 : i32
    %add3A_201 = arith.addi %scan3A_12#2, %add3A_200 : i32
    %swap3A_202 = arith.index_cast %add3A_201 : i32 to index
    %swap3A_203 = tpu.vector_load %arg13[%swap3A_202] {strides = array<i32>} : memref<10240xi32, #tpu.memory_space<vmem>>, vector<16xi32>,
    tpu.vector_store %arg13[%swap3A_202], %broadcast_in_dim3A_14 {strides = array<i32>} : memref<10240xi32, #tpu.memory_space<vmem>>, vector<16xi32>,
    %add3A_204 = arith.constant 112 : i32
    %add3A_205 = arith.addi %scan3A_12#2, %add3A_204 : i32
    %swap3A_206 = arith.index_cast %add3A_205 : i32 to index
    %swap3A_207 = tpu.vector_load %arg14[%swap3A_206] {strides = array<i32>} : memref<10240xi32, #tpu.memory_space<vmem>>, vector<16xi32>,
    tpu.vector_store %arg14[%swap3A_206], %broadcast_in_dim3A_16 {strides = array<i32>} : memref<10240xi32, #tpu.memory_space<vmem>>, vector<16xi32>,
    %add3A_208 = arith.constant 0 : i32
    %add3A_209 = arith.addi %scan3A_12#3, %add3A_208 : i32
    %swap3A_210 = arith.index_cast %add3A_209 : i32 to index
    %swap3A_211 = tpu.vector_load %arg15[%swap3A_210] {strides = array<i32>} : memref<10240xi32, #tpu.memory_space<vmem>>, vector<16xi32>,
    tpu.vector_store %arg15[%swap3A_210], %broadcast_in_dim3A_14 {strides = array<i32>} : memref<10240xi32, #tpu.memory_space<vmem>>, vector<16xi32>,
    %add3A_212 = arith.constant 0 : i32
    %add3A_213 = arith.addi %scan3A_12#3, %add3A_212 : i32
    %swap3A_214 = arith.index_cast %add3A_213 : i32 to index
    %swap3A_215 = tpu.vector_load %arg16[%swap3A_214] {strides = array<i32>} : memref<10240xi32, #tpu.memory_space<vmem>>, vector<16xi32>,
    tpu.vector_store %arg16[%swap3A_214], %broadcast_in_dim3A_16 {strides = array<i32>} : memref<10240xi32, #tpu.memory_space<vmem>>, vector<16xi32>,
    %add3A_216 = arith.constant 16 : i32
    %add3A_217 = arith.addi %scan3A_12#3, %add3A_216 : i32
    %swap3A_218 = arith.index_cast %add3A_217 : i32 to index
    %swap3A_219 = tpu.vector_load %arg15[%swap3A_218] {strides = array<i32>} : memref<10240xi32, #tpu.memory_space<vmem>>, vector<16xi32>,
    tpu.vector_store %arg15[%swap3A_218], %broadcast_in_dim3A_14 {strides = array<i32>} : memref<10240xi32, #tpu.memory_space<vmem>>, vector<16xi32>,
    %add3A_220 = arith.constant 16 : i32
    %add3A_221 = arith.addi %scan3A_12#3, %add3A_220 : i32
    %swap3A_222 = arith.index_cast %add3A_221 : i32 to index
    %swap3A_223 = tpu.vector_load %arg16[%swap3A_222] {strides = array<i32>} : memref<10240xi32, #tpu.memory_space<vmem>>, vector<16xi32>,
    tpu.vector_store %arg16[%swap3A_222], %broadcast_in_dim3A_16 {strides = array<i32>} : memref<10240xi32, #tpu.memory_space<vmem>>, vector<16xi32>,
    %add3A_224 = arith.constant 32 : i32
    %add3A_225 = arith.addi %scan3A_12#3, %add3A_224 : i32
    %swap3A_226 = arith.index_cast %add3A_225 : i32 to index
    %swap3A_227 = tpu.vector_load %arg15[%swap3A_226] {strides = array<i32>} : memref<10240xi32, #tpu.memory_space<vmem>>, vector<16xi32>,
    tpu.vector_store %arg15[%swap3A_226], %broadcast_in_dim3A_14 {strides = array<i32>} : memref<10240xi32, #tpu.memory_space<vmem>>, vector<16xi32>,
    %add3A_228 = arith.constant 32 : i32
    %add3A_229 = arith.addi %scan3A_12#3, %add3A_228 : i32
    %swap3A_230 = arith.index_cast %add3A_229 : i32 to index
    %swap3A_231 = tpu.vector_load %arg16[%swap3A_230] {strides = array<i32>} : memref<10240xi32, #tpu.memory_space<vmem>>, vector<16xi32>,
    tpu.vector_store %arg16[%swap3A_230], %broadcast_in_dim3A_16 {strides = array<i32>} : memref<10240xi32, #tpu.memory_space<vmem>>, vector<16xi32>,
    %add3A_232 = arith.constant 48 : i32
    %add3A_233 = arith.addi %scan3A_12#3, %add3A_232 : i32
    %swap3A_234 = arith.index_cast %add3A_233 : i32 to index
    %swap3A_235 = tpu.vector_load %arg15[%swap3A_234] {strides = array<i32>} : memref<10240xi32, #tpu.memory_space<vmem>>, vector<16xi32>,
    tpu.vector_store %arg15[%swap3A_234], %broadcast_in_dim3A_14 {strides = array<i32>} : memref<10240xi32, #tpu.memory_space<vmem>>, vector<16xi32>,
    %add3A_236 = arith.constant 48 : i32
    %add3A_237 = arith.addi %scan3A_12#3, %add3A_236 : i32
    %swap3A_238 = arith.index_cast %add3A_237 : i32 to index
    %swap3A_239 = tpu.vector_load %arg16[%swap3A_238] {strides = array<i32>} : memref<10240xi32, #tpu.memory_space<vmem>>, vector<16xi32>,
    tpu.vector_store %arg16[%swap3A_238], %broadcast_in_dim3A_16 {strides = array<i32>} : memref<10240xi32, #tpu.memory_space<vmem>>, vector<16xi32>,
    %add3A_240 = arith.constant 64 : i32
    %add3A_241 = arith.addi %scan3A_12#3, %add3A_240 : i32
    %swap3A_242 = arith.index_cast %add3A_241 : i32 to index
    %swap3A_243 = tpu.vector_load %arg15[%swap3A_242] {strides = array<i32>} : memref<10240xi32, #tpu.memory_space<vmem>>, vector<16xi32>,
    tpu.vector_store %arg15[%swap3A_242], %broadcast_in_dim3A_14 {strides = array<i32>} : memref<10240xi32, #tpu.memory_space<vmem>>, vector<16xi32>,
    %add3A_244 = arith.constant 64 : i32
    %add3A_245 = arith.addi %scan3A_12#3, %add3A_244 : i32
    %swap3A_246 = arith.index_cast %add3A_245 : i32 to index
    %swap3A_247 = tpu.vector_load %arg16[%swap3A_246] {strides = array<i32>} : memref<10240xi32, #tpu.memory_space<vmem>>, vector<16xi32>,
    tpu.vector_store %arg16[%swap3A_246], %broadcast_in_dim3A_16 {strides = array<i32>} : memref<10240xi32, #tpu.memory_space<vmem>>, vector<16xi32>,
    %add3A_248 = arith.constant 80 : i32
    %add3A_249 = arith.addi %scan3A_12#3, %add3A_248 : i32
    %swap3A_250 = arith.index_cast %add3A_249 : i32 to index
    %swap3A_251 = tpu.vector_load %arg15[%swap3A_250] {strides = array<i32>} : memref<10240xi32, #tpu.memory_space<vmem>>, vector<16xi32>,
    tpu.vector_store %arg15[%swap3A_250], %broadcast_in_dim3A_14 {strides = array<i32>} : memref<10240xi32, #tpu.memory_space<vmem>>, vector<16xi32>,
    %add3A_252 = arith.constant 80 : i32
    %add3A_253 = arith.addi %scan3A_12#3, %add3A_252 : i32
    %swap3A_254 = arith.index_cast %add3A_253 : i32 to index
    %swap3A_255 = tpu.vector_load %arg16[%swap3A_254] {strides = array<i32>} : memref<10240xi32, #tpu.memory_space<vmem>>, vector<16xi32>,
    tpu.vector_store %arg16[%swap3A_254], %broadcast_in_dim3A_16 {strides = array<i32>} : memref<10240xi32, #tpu.memory_space<vmem>>, vector<16xi32>,
    %add3A_256 = arith.constant 96 : i32
    %add3A_257 = arith.addi %scan3A_12#3, %add3A_256 : i32
    %swap3A_258 = arith.index_cast %add3A_257 : i32 to index
    %swap3A_259 = tpu.vector_load %arg15[%swap3A_258] {strides = array<i32>} : memref<10240xi32, #tpu.memory_space<vmem>>, vector<16xi32>,
    tpu.vector_store %arg15[%swap3A_258], %broadcast_in_dim3A_14 {strides = array<i32>} : memref<10240xi32, #tpu.memory_space<vmem>>, vector<16xi32>,
    %add3A_260 = arith.constant 96 : i32
    %add3A_261 = arith.addi %scan3A_12#3, %add3A_260 : i32
    %swap3A_262 = arith.index_cast %add3A_261 : i32 to index
    %swap3A_263 = tpu.vector_load %arg16[%swap3A_262] {strides = array<i32>} : memref<10240xi32, #tpu.memory_space<vmem>>, vector<16xi32>,
    tpu.vector_store %arg16[%swap3A_262], %broadcast_in_dim3A_16 {strides = array<i32>} : memref<10240xi32, #tpu.memory_space<vmem>>, vector<16xi32>,
    %add3A_264 = arith.constant 112 : i32
    %add3A_265 = arith.addi %scan3A_12#3, %add3A_264 : i32
    %swap3A_266 = arith.index_cast %add3A_265 : i32 to index
    %swap3A_267 = tpu.vector_load %arg15[%swap3A_266] {strides = array<i32>} : memref<10240xi32, #tpu.memory_space<vmem>>, vector<16xi32>,
    tpu.vector_store %arg15[%swap3A_266], %broadcast_in_dim3A_14 {strides = array<i32>} : memref<10240xi32, #tpu.memory_space<vmem>>, vector<16xi32>,
    %add3A_268 = arith.constant 112 : i32
    %add3A_269 = arith.addi %scan3A_12#3, %add3A_268 : i32
    %swap3A_270 = arith.index_cast %add3A_269 : i32 to index
    %swap3A_271 = tpu.vector_load %arg16[%swap3A_270] {strides = array<i32>} : memref<10240xi32, #tpu.memory_space<vmem>>, vector<16xi32>,
    tpu.vector_store %arg16[%swap3A_270], %broadcast_in_dim3A_16 {strides = array<i32>} : memref<10240xi32, #tpu.memory_space<vmem>>, vector<16xi32>,
    %add3A_272 = arith.constant 0 : i32
    %add3A_273 = arith.addi %add3A_272, %add3A : i32
    %mul3A_274 = arith.constant 10240 : i32
    %mul3A_275 = arith.muli %add3A_273, %mul3A_274 : i32
    "tpu.region"() ({
      %run_scoped3A = tpu.sem_alloc : memref<!tpu.dma_semaphore, #tpu.memory_space<semaphore_mem>>
      %dma_start3A = tpu.memref_slice %arg4[%mul3A_275] : memref<1310720xi32, #tpu.memory_space<hbm>> -> memref<10240xi32, #tpu.memory_space<hbm>>
      %dma_start3A_344 = tpu.memref_slice %arg4[%mul3A_275] : memref<1310720xi32, #tpu.memory_space<hbm>> -> memref<10240xi32, #tpu.memory_space<hbm>>
      tpu.enqueue_dma source(%arg9 : memref<10240xi32, #tpu.memory_space<vmem>>) target(%dma_start3A_344 : memref<10240xi32, #tpu.memory_space<hbm>>) target_semaphore(%run_scoped3A : memref<!tpu.dma_semaphore, #tpu.memory_space<semaphore_mem>>)
      %dma_wait3A = tpu.memref_slice %arg4[%mul3A_275] : memref<1310720xi32, #tpu.memory_space<hbm>> -> memref<10240xi32, #tpu.memory_space<hbm>>
      %dma_wait3A_345 = tpu.memref_slice %arg4[%mul3A_275] : memref<1310720xi32, #tpu.memory_space<hbm>> -> memref<10240xi32, #tpu.memory_space<hbm>>
      tpu.wait_dma2 semaphore(%run_scoped3A : memref<!tpu.dma_semaphore, #tpu.memory_space<semaphore_mem>>) src(%arg9 : memref<10240xi32, #tpu.memory_space<vmem>>) dst(%dma_wait3A_345 : memref<10240xi32, #tpu.memory_space<hbm>>)
      tpu.yield
    }) : () -> ()
    %add3A_276 = arith.constant 0 : i32
    %add3A_277 = arith.addi %add3A_276, %add3A : i32
    %mul3A_278 = arith.constant 10240 : i32
    %mul3A_279 = arith.muli %add3A_277, %mul3A_278 : i32
    "tpu.region"() ({
      %run_scoped3A = tpu.sem_alloc : memref<!tpu.dma_semaphore, #tpu.memory_space<semaphore_mem>>
      %dma_start3A = tpu.memref_slice %arg5[%mul3A_279] : memref<1310720xi32, #tpu.memory_space<hbm>> -> memref<10240xi32, #tpu.memory_space<hbm>>
      %dma_start3A_344 = tpu.memref_slice %arg5[%mul3A_279] : memref<1310720xi32, #tpu.memory_space<hbm>> -> memref<10240xi32, #tpu.memory_space<hbm>>
      tpu.enqueue_dma source(%arg10 : memref<10240xi32, #tpu.memory_space<vmem>>) target(%dma_start3A_344 : memref<10240xi32, #tpu.memory_space<hbm>>) target_semaphore(%run_scoped3A : memref<!tpu.dma_semaphore, #tpu.memory_space<semaphore_mem>>)
      %dma_wait3A = tpu.memref_slice %arg5[%mul3A_279] : memref<1310720xi32, #tpu.memory_space<hbm>> -> memref<10240xi32, #tpu.memory_space<hbm>>
      %dma_wait3A_345 = tpu.memref_slice %arg5[%mul3A_279] : memref<1310720xi32, #tpu.memory_space<hbm>> -> memref<10240xi32, #tpu.memory_space<hbm>>
      tpu.wait_dma2 semaphore(%run_scoped3A : memref<!tpu.dma_semaphore, #tpu.memory_space<semaphore_mem>>) src(%arg10 : memref<10240xi32, #tpu.memory_space<vmem>>) dst(%dma_wait3A_345 : memref<10240xi32, #tpu.memory_space<hbm>>)
      tpu.yield
    }) : () -> ()
    %broadcast_in_dim3A_280 = arith.constant 1 : i32
    %broadcast_in_dim3A_281 = vector.broadcast %broadcast_in_dim3A_280 : i32 to vector<16xi32>
    %mul3A_282 = vector.broadcast %scan3A_12#0 : i32 to vector<16xi32>
    %mul3A_283 = arith.muli %broadcast_in_dim3A_281, %mul3A_282 : vector<16xi32>
    %swap3A_284 = arith.constant 0 : index
    %swap3A_285 = tpu.vector_load %arg17[%swap3A_284] {strides = array<i32>} : memref<16xi32, #tpu.memory_space<vmem>>, vector<16xi32>,
    tpu.vector_store %arg17[%swap3A_284], %mul3A_283 {strides = array<i32>} : memref<16xi32, #tpu.memory_space<vmem>>, vector<16xi32>,
    %add3A_286 = arith.constant 0 : i32
    %add3A_287 = arith.addi %add3A_286, %add3A : i32
    %mul3A_288 = arith.constant 16 : i32
    %mul3A_289 = arith.muli %add3A_287, %mul3A_288 : i32
    "tpu.region"() ({
      %run_scoped3A = tpu.sem_alloc : memref<!tpu.dma_semaphore, #tpu.memory_space<semaphore_mem>>
      %dma_start3A = tpu.memref_slice %arg6[%mul3A_289] : memref<2048xi32, #tpu.memory_space<hbm>> -> memref<16xi32, #tpu.memory_space<hbm>>
      %dma_start3A_344 = tpu.memref_slice %arg6[%mul3A_289] : memref<2048xi32, #tpu.memory_space<hbm>> -> memref<16xi32, #tpu.memory_space<hbm>>
      tpu.enqueue_dma source(%arg17 : memref<16xi32, #tpu.memory_space<vmem>>) target(%dma_start3A_344 : memref<16xi32, #tpu.memory_space<hbm>>) target_semaphore(%run_scoped3A : memref<!tpu.dma_semaphore, #tpu.memory_space<semaphore_mem>>)
      %dma_wait3A = tpu.memref_slice %arg6[%mul3A_289] : memref<2048xi32, #tpu.memory_space<hbm>> -> memref<16xi32, #tpu.memory_space<hbm>>
      %dma_wait3A_345 = tpu.memref_slice %arg6[%mul3A_289] : memref<2048xi32, #tpu.memory_space<hbm>> -> memref<16xi32, #tpu.memory_space<hbm>>
      tpu.wait_dma2 semaphore(%run_scoped3A : memref<!tpu.dma_semaphore, #tpu.memory_space<semaphore_mem>>) src(%arg17 : memref<16xi32, #tpu.memory_space<vmem>>) dst(%dma_wait3A_345 : memref<16xi32, #tpu.memory_space<hbm>>)
      tpu.yield
    }) : () -> ()
    %add3A_290 = arith.constant 32 : i32
    %add3A_291 = arith.addi %add3A_290, %add3A : i32
    %mul3A_292 = arith.constant 10240 : i32
    %mul3A_293 = arith.muli %add3A_291, %mul3A_292 : i32
    "tpu.region"() ({
      %run_scoped3A = tpu.sem_alloc : memref<!tpu.dma_semaphore, #tpu.memory_space<semaphore_mem>>
      %dma_start3A = tpu.memref_slice %arg4[%mul3A_293] : memref<1310720xi32, #tpu.memory_space<hbm>> -> memref<10240xi32, #tpu.memory_space<hbm>>
      %dma_start3A_344 = tpu.memref_slice %arg4[%mul3A_293] : memref<1310720xi32, #tpu.memory_space<hbm>> -> memref<10240xi32, #tpu.memory_space<hbm>>
      tpu.enqueue_dma source(%arg11 : memref<10240xi32, #tpu.memory_space<vmem>>) target(%dma_start3A_344 : memref<10240xi32, #tpu.memory_space<hbm>>) target_semaphore(%run_scoped3A : memref<!tpu.dma_semaphore, #tpu.memory_space<semaphore_mem>>)
      %dma_wait3A = tpu.memref_slice %arg4[%mul3A_293] : memref<1310720xi32, #tpu.memory_space<hbm>> -> memref<10240xi32, #tpu.memory_space<hbm>>
      %dma_wait3A_345 = tpu.memref_slice %arg4[%mul3A_293] : memref<1310720xi32, #tpu.memory_space<hbm>> -> memref<10240xi32, #tpu.memory_space<hbm>>
      tpu.wait_dma2 semaphore(%run_scoped3A : memref<!tpu.dma_semaphore, #tpu.memory_space<semaphore_mem>>) src(%arg11 : memref<10240xi32, #tpu.memory_space<vmem>>) dst(%dma_wait3A_345 : memref<10240xi32, #tpu.memory_space<hbm>>)
      tpu.yield
    }) : () -> ()
    %add3A_294 = arith.constant 32 : i32
    %add3A_295 = arith.addi %add3A_294, %add3A : i32
    %mul3A_296 = arith.constant 10240 : i32
    %mul3A_297 = arith.muli %add3A_295, %mul3A_296 : i32
    "tpu.region"() ({
      %run_scoped3A = tpu.sem_alloc : memref<!tpu.dma_semaphore, #tpu.memory_space<semaphore_mem>>
      %dma_start3A = tpu.memref_slice %arg5[%mul3A_297] : memref<1310720xi32, #tpu.memory_space<hbm>> -> memref<10240xi32, #tpu.memory_space<hbm>>
      %dma_start3A_344 = tpu.memref_slice %arg5[%mul3A_297] : memref<1310720xi32, #tpu.memory_space<hbm>> -> memref<10240xi32, #tpu.memory_space<hbm>>
      tpu.enqueue_dma source(%arg12 : memref<10240xi32, #tpu.memory_space<vmem>>) target(%dma_start3A_344 : memref<10240xi32, #tpu.memory_space<hbm>>) target_semaphore(%run_scoped3A : memref<!tpu.dma_semaphore, #tpu.memory_space<semaphore_mem>>)
      %dma_wait3A = tpu.memref_slice %arg5[%mul3A_297] : memref<1310720xi32, #tpu.memory_space<hbm>> -> memref<10240xi32, #tpu.memory_space<hbm>>
      %dma_wait3A_345 = tpu.memref_slice %arg5[%mul3A_297] : memref<1310720xi32, #tpu.memory_space<hbm>> -> memref<10240xi32, #tpu.memory_space<hbm>>
      tpu.wait_dma2 semaphore(%run_scoped3A : memref<!tpu.dma_semaphore, #tpu.memory_space<semaphore_mem>>) src(%arg12 : memref<10240xi32, #tpu.memory_space<vmem>>) dst(%dma_wait3A_345 : memref<10240xi32, #tpu.memory_space<hbm>>)
      tpu.yield
    }) : () -> ()
    %broadcast_in_dim3A_298 = arith.constant 1 : i32
    %broadcast_in_dim3A_299 = vector.broadcast %broadcast_in_dim3A_298 : i32 to vector<16xi32>
    %mul3A_300 = vector.broadcast %scan3A_12#1 : i32 to vector<16xi32>
    %mul3A_301 = arith.muli %broadcast_in_dim3A_299, %mul3A_300 : vector<16xi32>
    %swap3A_302 = arith.constant 0 : index
    %swap3A_303 = tpu.vector_load %arg17[%swap3A_302] {strides = array<i32>} : memref<16xi32, #tpu.memory_space<vmem>>, vector<16xi32>,
    tpu.vector_store %arg17[%swap3A_302], %mul3A_301 {strides = array<i32>} : memref<16xi32, #tpu.memory_space<vmem>>, vector<16xi32>,
    %add3A_304 = arith.constant 32 : i32
    %add3A_305 = arith.addi %add3A_304, %add3A : i32
    %mul3A_306 = arith.constant 16 : i32
    %mul3A_307 = arith.muli %add3A_305, %mul3A_306 : i32
    "tpu.region"() ({
      %run_scoped3A = tpu.sem_alloc : memref<!tpu.dma_semaphore, #tpu.memory_space<semaphore_mem>>
      %dma_start3A = tpu.memref_slice %arg6[%mul3A_307] : memref<2048xi32, #tpu.memory_space<hbm>> -> memref<16xi32, #tpu.memory_space<hbm>>
      %dma_start3A_344 = tpu.memref_slice %arg6[%mul3A_307] : memref<2048xi32, #tpu.memory_space<hbm>> -> memref<16xi32, #tpu.memory_space<hbm>>
      tpu.enqueue_dma source(%arg17 : memref<16xi32, #tpu.memory_space<vmem>>) target(%dma_start3A_344 : memref<16xi32, #tpu.memory_space<hbm>>) target_semaphore(%run_scoped3A : memref<!tpu.dma_semaphore, #tpu.memory_space<semaphore_mem>>)
      %dma_wait3A = tpu.memref_slice %arg6[%mul3A_307] : memref<2048xi32, #tpu.memory_space<hbm>> -> memref<16xi32, #tpu.memory_space<hbm>>
      %dma_wait3A_345 = tpu.memref_slice %arg6[%mul3A_307] : memref<2048xi32, #tpu.memory_space<hbm>> -> memref<16xi32, #tpu.memory_space<hbm>>
      tpu.wait_dma2 semaphore(%run_scoped3A : memref<!tpu.dma_semaphore, #tpu.memory_space<semaphore_mem>>) src(%arg17 : memref<16xi32, #tpu.memory_space<vmem>>) dst(%dma_wait3A_345 : memref<16xi32, #tpu.memory_space<hbm>>)
      tpu.yield
    }) : () -> ()
    %add3A_308 = arith.constant 64 : i32
    %add3A_309 = arith.addi %add3A_308, %add3A : i32
    %mul3A_310 = arith.constant 10240 : i32
    %mul3A_311 = arith.muli %add3A_309, %mul3A_310 : i32
    "tpu.region"() ({
      %run_scoped3A = tpu.sem_alloc : memref<!tpu.dma_semaphore, #tpu.memory_space<semaphore_mem>>
      %dma_start3A = tpu.memref_slice %arg4[%mul3A_311] : memref<1310720xi32, #tpu.memory_space<hbm>> -> memref<10240xi32, #tpu.memory_space<hbm>>
      %dma_start3A_344 = tpu.memref_slice %arg4[%mul3A_311] : memref<1310720xi32, #tpu.memory_space<hbm>> -> memref<10240xi32, #tpu.memory_space<hbm>>
      tpu.enqueue_dma source(%arg13 : memref<10240xi32, #tpu.memory_space<vmem>>) target(%dma_start3A_344 : memref<10240xi32, #tpu.memory_space<hbm>>) target_semaphore(%run_scoped3A : memref<!tpu.dma_semaphore, #tpu.memory_space<semaphore_mem>>)
      %dma_wait3A = tpu.memref_slice %arg4[%mul3A_311] : memref<1310720xi32, #tpu.memory_space<hbm>> -> memref<10240xi32, #tpu.memory_space<hbm>>
      %dma_wait3A_345 = tpu.memref_slice %arg4[%mul3A_311] : memref<1310720xi32, #tpu.memory_space<hbm>> -> memref<10240xi32, #tpu.memory_space<hbm>>
      tpu.wait_dma2 semaphore(%run_scoped3A : memref<!tpu.dma_semaphore, #tpu.memory_space<semaphore_mem>>) src(%arg13 : memref<10240xi32, #tpu.memory_space<vmem>>) dst(%dma_wait3A_345 : memref<10240xi32, #tpu.memory_space<hbm>>)
      tpu.yield
    }) : () -> ()
    %add3A_312 = arith.constant 64 : i32
    %add3A_313 = arith.addi %add3A_312, %add3A : i32
    %mul3A_314 = arith.constant 10240 : i32
    %mul3A_315 = arith.muli %add3A_313, %mul3A_314 : i32
    "tpu.region"() ({
      %run_scoped3A = tpu.sem_alloc : memref<!tpu.dma_semaphore, #tpu.memory_space<semaphore_mem>>
      %dma_start3A = tpu.memref_slice %arg5[%mul3A_315] : memref<1310720xi32, #tpu.memory_space<hbm>> -> memref<10240xi32, #tpu.memory_space<hbm>>
      %dma_start3A_344 = tpu.memref_slice %arg5[%mul3A_315] : memref<1310720xi32, #tpu.memory_space<hbm>> -> memref<10240xi32, #tpu.memory_space<hbm>>
      tpu.enqueue_dma source(%arg14 : memref<10240xi32, #tpu.memory_space<vmem>>) target(%dma_start3A_344 : memref<10240xi32, #tpu.memory_space<hbm>>) target_semaphore(%run_scoped3A : memref<!tpu.dma_semaphore, #tpu.memory_space<semaphore_mem>>)
      %dma_wait3A = tpu.memref_slice %arg5[%mul3A_315] : memref<1310720xi32, #tpu.memory_space<hbm>> -> memref<10240xi32, #tpu.memory_space<hbm>>
      %dma_wait3A_345 = tpu.memref_slice %arg5[%mul3A_315] : memref<1310720xi32, #tpu.memory_space<hbm>> -> memref<10240xi32, #tpu.memory_space<hbm>>
      tpu.wait_dma2 semaphore(%run_scoped3A : memref<!tpu.dma_semaphore, #tpu.memory_space<semaphore_mem>>) src(%arg14 : memref<10240xi32, #tpu.memory_space<vmem>>) dst(%dma_wait3A_345 : memref<10240xi32, #tpu.memory_space<hbm>>)
      tpu.yield
    }) : () -> ()
    %broadcast_in_dim3A_316 = arith.constant 1 : i32
    %broadcast_in_dim3A_317 = vector.broadcast %broadcast_in_dim3A_316 : i32 to vector<16xi32>
    %mul3A_318 = vector.broadcast %scan3A_12#2 : i32 to vector<16xi32>
    %mul3A_319 = arith.muli %broadcast_in_dim3A_317, %mul3A_318 : vector<16xi32>
    %swap3A_320 = arith.constant 0 : index
    %swap3A_321 = tpu.vector_load %arg17[%swap3A_320] {strides = array<i32>} : memref<16xi32, #tpu.memory_space<vmem>>, vector<16xi32>,
    tpu.vector_store %arg17[%swap3A_320], %mul3A_319 {strides = array<i32>} : memref<16xi32, #tpu.memory_space<vmem>>, vector<16xi32>,
    %add3A_322 = arith.constant 64 : i32
    %add3A_323 = arith.addi %add3A_322, %add3A : i32
    %mul3A_324 = arith.constant 16 : i32
    %mul3A_325 = arith.muli %add3A_323, %mul3A_324 : i32
    "tpu.region"() ({
      %run_scoped3A = tpu.sem_alloc : memref<!tpu.dma_semaphore, #tpu.memory_space<semaphore_mem>>
      %dma_start3A = tpu.memref_slice %arg6[%mul3A_325] : memref<2048xi32, #tpu.memory_space<hbm>> -> memref<16xi32, #tpu.memory_space<hbm>>
      %dma_start3A_344 = tpu.memref_slice %arg6[%mul3A_325] : memref<2048xi32, #tpu.memory_space<hbm>> -> memref<16xi32, #tpu.memory_space<hbm>>
      tpu.enqueue_dma source(%arg17 : memref<16xi32, #tpu.memory_space<vmem>>) target(%dma_start3A_344 : memref<16xi32, #tpu.memory_space<hbm>>) target_semaphore(%run_scoped3A : memref<!tpu.dma_semaphore, #tpu.memory_space<semaphore_mem>>)
      %dma_wait3A = tpu.memref_slice %arg6[%mul3A_325] : memref<2048xi32, #tpu.memory_space<hbm>> -> memref<16xi32, #tpu.memory_space<hbm>>
      %dma_wait3A_345 = tpu.memref_slice %arg6[%mul3A_325] : memref<2048xi32, #tpu.memory_space<hbm>> -> memref<16xi32, #tpu.memory_space<hbm>>
      tpu.wait_dma2 semaphore(%run_scoped3A : memref<!tpu.dma_semaphore, #tpu.memory_space<semaphore_mem>>) src(%arg17 : memref<16xi32, #tpu.memory_space<vmem>>) dst(%dma_wait3A_345 : memref<16xi32, #tpu.memory_space<hbm>>)
      tpu.yield
    }) : () -> ()
    %add3A_326 = arith.constant 96 : i32
    %add3A_327 = arith.addi %add3A_326, %add3A : i32
    %mul3A_328 = arith.constant 10240 : i32
    %mul3A_329 = arith.muli %add3A_327, %mul3A_328 : i32
    "tpu.region"() ({
      %run_scoped3A = tpu.sem_alloc : memref<!tpu.dma_semaphore, #tpu.memory_space<semaphore_mem>>
      %dma_start3A = tpu.memref_slice %arg4[%mul3A_329] : memref<1310720xi32, #tpu.memory_space<hbm>> -> memref<10240xi32, #tpu.memory_space<hbm>>
      %dma_start3A_344 = tpu.memref_slice %arg4[%mul3A_329] : memref<1310720xi32, #tpu.memory_space<hbm>> -> memref<10240xi32, #tpu.memory_space<hbm>>
      tpu.enqueue_dma source(%arg15 : memref<10240xi32, #tpu.memory_space<vmem>>) target(%dma_start3A_344 : memref<10240xi32, #tpu.memory_space<hbm>>) target_semaphore(%run_scoped3A : memref<!tpu.dma_semaphore, #tpu.memory_space<semaphore_mem>>)
      %dma_wait3A = tpu.memref_slice %arg4[%mul3A_329] : memref<1310720xi32, #tpu.memory_space<hbm>> -> memref<10240xi32, #tpu.memory_space<hbm>>
      %dma_wait3A_345 = tpu.memref_slice %arg4[%mul3A_329] : memref<1310720xi32, #tpu.memory_space<hbm>> -> memref<10240xi32, #tpu.memory_space<hbm>>
      tpu.wait_dma2 semaphore(%run_scoped3A : memref<!tpu.dma_semaphore, #tpu.memory_space<semaphore_mem>>) src(%arg15 : memref<10240xi32, #tpu.memory_space<vmem>>) dst(%dma_wait3A_345 : memref<10240xi32, #tpu.memory_space<hbm>>)
      tpu.yield
    }) : () -> ()
    %add3A_330 = arith.constant 96 : i32
    %add3A_331 = arith.addi %add3A_330, %add3A : i32
    %mul3A_332 = arith.constant 10240 : i32
    %mul3A_333 = arith.muli %add3A_331, %mul3A_332 : i32
    "tpu.region"() ({
      %run_scoped3A = tpu.sem_alloc : memref<!tpu.dma_semaphore, #tpu.memory_space<semaphore_mem>>
      %dma_start3A = tpu.memref_slice %arg5[%mul3A_333] : memref<1310720xi32, #tpu.memory_space<hbm>> -> memref<10240xi32, #tpu.memory_space<hbm>>
      %dma_start3A_344 = tpu.memref_slice %arg5[%mul3A_333] : memref<1310720xi32, #tpu.memory_space<hbm>> -> memref<10240xi32, #tpu.memory_space<hbm>>
      tpu.enqueue_dma source(%arg16 : memref<10240xi32, #tpu.memory_space<vmem>>) target(%dma_start3A_344 : memref<10240xi32, #tpu.memory_space<hbm>>) target_semaphore(%run_scoped3A : memref<!tpu.dma_semaphore, #tpu.memory_space<semaphore_mem>>)
      %dma_wait3A = tpu.memref_slice %arg5[%mul3A_333] : memref<1310720xi32, #tpu.memory_space<hbm>> -> memref<10240xi32, #tpu.memory_space<hbm>>
      %dma_wait3A_345 = tpu.memref_slice %arg5[%mul3A_333] : memref<1310720xi32, #tpu.memory_space<hbm>> -> memref<10240xi32, #tpu.memory_space<hbm>>
      tpu.wait_dma2 semaphore(%run_scoped3A : memref<!tpu.dma_semaphore, #tpu.memory_space<semaphore_mem>>) src(%arg16 : memref<10240xi32, #tpu.memory_space<vmem>>) dst(%dma_wait3A_345 : memref<10240xi32, #tpu.memory_space<hbm>>)
      tpu.yield
    }) : () -> ()
    %broadcast_in_dim3A_334 = arith.constant 1 : i32
    %broadcast_in_dim3A_335 = vector.broadcast %broadcast_in_dim3A_334 : i32 to vector<16xi32>
    %mul3A_336 = vector.broadcast %scan3A_12#3 : i32 to vector<16xi32>
    %mul3A_337 = arith.muli %broadcast_in_dim3A_335, %mul3A_336 : vector<16xi32>
    %swap3A_338 = arith.constant 0 : index
    %swap3A_339 = tpu.vector_load %arg17[%swap3A_338] {strides = array<i32>} : memref<16xi32, #tpu.memory_space<vmem>>, vector<16xi32>,
    tpu.vector_store %arg17[%swap3A_338], %mul3A_337 {strides = array<i32>} : memref<16xi32, #tpu.memory_space<vmem>>, vector<16xi32>,
    %add3A_340 = arith.constant 96 : i32
    %add3A_341 = arith.addi %add3A_340, %add3A : i32
    %mul3A_342 = arith.constant 16 : i32
    %mul3A_343 = arith.muli %add3A_341, %mul3A_342 : i32
    "tpu.region"() ({
      %run_scoped3A = tpu.sem_alloc : memref<!tpu.dma_semaphore, #tpu.memory_space<semaphore_mem>>
      %dma_start3A = tpu.memref_slice %arg6[%mul3A_343] : memref<2048xi32, #tpu.memory_space<hbm>> -> memref<16xi32, #tpu.memory_space<hbm>>
      %dma_start3A_344 = tpu.memref_slice %arg6[%mul3A_343] : memref<2048xi32, #tpu.memory_space<hbm>> -> memref<16xi32, #tpu.memory_space<hbm>>
      tpu.enqueue_dma source(%arg17 : memref<16xi32, #tpu.memory_space<vmem>>) target(%dma_start3A_344 : memref<16xi32, #tpu.memory_space<hbm>>) target_semaphore(%run_scoped3A : memref<!tpu.dma_semaphore, #tpu.memory_space<semaphore_mem>>)
      %dma_wait3A = tpu.memref_slice %arg6[%mul3A_343] : memref<2048xi32, #tpu.memory_space<hbm>> -> memref<16xi32, #tpu.memory_space<hbm>>
      %dma_wait3A_345 = tpu.memref_slice %arg6[%mul3A_343] : memref<2048xi32, #tpu.memory_space<hbm>> -> memref<16xi32, #tpu.memory_space<hbm>>
      tpu.wait_dma2 semaphore(%run_scoped3A : memref<!tpu.dma_semaphore, #tpu.memory_space<semaphore_mem>>) src(%arg17 : memref<16xi32, #tpu.memory_space<vmem>>) dst(%dma_wait3A_345 : memref<16xi32, #tpu.memory_space<hbm>>)
      tpu.yield
    }) : () -> ()
    return
  }
}

</mosaic_0001>

<sc_bundles>
// kernel: _p1.3.cloned.1.call-start
scs
__scs_entry_jumppad:
0x0: {  	(pc) =	sbr.rel $0x88, $3  }
0x1: {  	(tag) =	ssettag $0x0;
	lr =	simm.s32 $0x1  }
0x2: {  	[smem:$0x3F9F] =	sst lr;
	_ =	strace $0xD0000000  }
0x3: {  	_ = 	snop  }
0x4: {  	_ = 	snop  }
0x5: {  	_ = 	snop  }
0x6: {  	_ = 	snop  }
0x7: {  	_ = 	snop  }
__scs_overlays_trampoline_lowered:
0x8: {  	[smem:$0x3FAE] =	sst s0  }
0x9: {  	[smem:$0x3FAF] =	sst s1  }
0xa: {  	[smem:$0x3FB0] =	sst s2  }
0xb: {  	[smem:$0x3FB1] =	sst s3  }
0xc: {  	[smem:$0x3FB2] =	sst s4  }
0xd: {  	[smem:$0x3FB3] =	sst s5  }
0xe: {  	[smem:$0x3FB4] =	sst s6  }
0xf: {  	[smem:$0x3FB5] =	sst s7  }
0x10: {  	[smem:$0x3FB6] =	sst s8  }
0x11: {  	[smem:$0x3FB7] =	sst s9;
	s0 =	simm.s32 @!p0 $0x0  }
0x12: {  	s1 =	sld [smem:$0x3F9D];
	s0 =	simm.s32 @p0 $0x1  }
0x13: {  	[smem:$0x3FB8] =	sst s0;
	s0 =	simm.s32 @!p1 $0x0  }
0x14: {  	s2 =	sld [smem:$0x3F9C];
	s0 =	simm.s32 @p1 $0x1  }
0x15: {  	[smem:$0x3FB9] =	sst s0;
	s0 =	simm.s32 @!p2 $0x0  }
0x16: {  	s3 =	sld [smem:$0x3FDB];
	s0 =	simm.s32 @p2 $0x1  }
0x17: {  	s4 =	simm.s32 $0x1BF5;
	[smem:$0x3FBB] =	sst s0  }
0x18: {  	s0 =	sld [smem:$0x3F9E];
	_ =	swait.ge [sflag:s4], $0x0  }
0x19: {  	s7 =	sld [smem:$0x3F9F]  }
0x1a: {  	s8 =	sadd.s32 $0xFFFFE003, lr  }
0x1b: {  	s9 =	sadd.s32 $0xFFFFFEF7, lr;
	s5 =	simm.s32 $0xFFFFFFFF;
	p2 =	slt.u32 s8, $0xFFFFF086  }
0x1c: {  	p1 =	slt.u32 s9, $0xF7A;
	s5 =	simm.s32 @!p2 $0x0  }
0x1d: {  	s5 =	simm.s32 @p1 $0x1;
	p0 =	seq.s32 s7, s2  }
0x1e: {  	s7 =	smul.u32 @!p0 $0xF7A, s2;
	p2 =	seq.s32 @!p0 s5, $0x0  }
0x1f: {  	s9 =	smul.u32 $0xF7A, s1;
	s8 =	simm.s32 @!p0 $0x1BF5;
	p2 =	por !p2, p0  }
0x20: {  	[sflag:s8] =	ssyncset.s32 @!p0 $0xFFFFF086;
	s6 =	sadd.s32 @!p0 s3, s7;
	s7 =	simm.s32 @!p0 $0x108  }
0x21: {  	s3 =	sadd.s32 s3, s9;
	s6 =	sadd.s32 @!p0 $0x88, s6;
	s7 =	simm.s32 @p2 $0x1082  }
0x22: {  	[simem:s7], [sflag:s8] =	dma.local @!p0 [hbm:s6], $0xF7A  }
0x23: {  	s9 =	sor.u32 $0xD0000000, s2;
	s6 =	simm.s32 $0x108;
	_ =	swait.ge @!p0 [sflag:s8], $0x0  }
0x24: {  	s3 =	sadd.s32 $0x88, s3;
	s6 =	simm.s32 @!p1 $0x1082;
	[sflag:s4] =	ssyncset.s32 $0xFFFFF086  }
0x25: {  	[simem:s6], [sflag:s4] =	dma.local [hbm:s3], $0xF7A  }
0x26: {  	[smem:$0x3F9F] =	sst s1;
	(tag) =	ssettag s2;
	_ =	strace s9  }
0x27: {  	s1 =	sld [smem:$0x3FAF]  }
0x28: {  	s2 =	sld [smem:$0x3FB0]  }
0x29: {  	s4 =	sld [smem:$0x3FB2]  }
0x2a: {  	p0 =	seq.s32 s5, $0x0;
	s5 =	sld [smem:$0x3FB3]  }
0x2b: {  	s6 =	sld [smem:$0x3FB4]  }
0x2c: {  	s7 =	sld [smem:$0x3FB5]  }
0x2d: {  	s3 =	simm.s32 $0x108;
	s8 =	sld [smem:$0x3FB6]  }
0x2e: {  	s3 =	simm.s32 @!p0 $0x1082;
	s9 =	sld [smem:$0x3FB7]  }
0x2f: {  	lr =	sadd.s32 s0, s3;
	s0 =	sld [smem:$0x3FAE]  }
0x30: {  	s3 =	sld [smem:$0x3FB1]  }
0x31: {  	[smem:$0x3FBA] =	sst s10  }
0x32: {  	s10 =	sld [smem:$0x3FB8];
	_ =	sdelay $0x3  }
0x33: {  	p0 =	seq.s32 s10, $0x1;
	s10 =	sld [smem:$0x3FBA];
	_ =	sdelay $0x3  }
0x34: {  	[smem:$0x3FBA] =	sst s10  }
0x35: {  	s10 =	sld [smem:$0x3FB9];
	_ =	sdelay $0x3  }
0x36: {  	p1 =	seq.s32 s10, $0x1;
	s10 =	sld [smem:$0x3FBA];
	_ =	sdelay $0x3  }
0x37: {  	[smem:$0x3FBA] =	sst s10  }
0x38: {  	s10 =	sld [smem:$0x3FBB]  }
0x39: {  	_ = 	snop;
	(pc) =	sbr.ind lr, $3  }
0x3a: {  	_ = 	snop  }
0x3b: {  	_ = 	snop  }
0x3c: {  	p2 =	seq.s32 s10, $0x1;
	s10 =	sld [smem:$0x3FBA]  }
0x3d: {  	_ =	shalt  }
0x3e: {  	_ =	shalt  }
0x3f: {  	_ =	shalt  }
0x40: {  	_ =	shalt  }
0x41: {  	_ =	shalt  }
0x42: {  	_ =	shalt  }
0x43: {  	_ =	shalt  }
0x44: {  	_ =	shalt  }
0x45: {  	_ =	shalt  }
0x46: {  	_ =	shalt  }
0x47: {  	_ =	shalt  }
0x48: {  	_ =	shalt  }
0x49: {  	_ =	shalt  }
0x4a: {  	_ =	shalt  }
0x4b: {  	_ =	shalt  }
0x4c: {  	_ =	shalt  }
0x4d: {  	_ =	shalt  }
0x4e: {  	_ =	shalt  }
0x4f: {  	_ =	shalt  }
0x50: {  	_ =	shalt  }
0x51: {  	_ =	shalt  }
0x52: {  	_ =	shalt  }
0x53: {  	_ =	shalt  }
0x54: {  	_ =	shalt  }
0x55: {  	_ =	shalt  }
0x56: {  	_ =	shalt  }
0x57: {  	_ =	shalt  }
0x58: {  	_ =	shalt  }
0x59: {  	_ =	shalt  }
0x5a: {  	_ =	shalt  }
0x5b: {  	_ =	shalt  }
0x5c: {  	_ =	shalt  }
0x5d: {  	_ =	shalt  }
0x5e: {  	_ =	shalt  }
0x5f: {  	_ =	shalt  }
0x60: {  	_ =	shalt  }
0x61: {  	_ =	shalt  }
0x62: {  	_ =	shalt  }
0x63: {  	_ =	shalt  }
0x64: {  	_ =	shalt  }
0x65: {  	_ =	shalt  }
0x66: {  	_ =	shalt  }
0x67: {  	_ =	shalt  }
0x68: {  	_ =	shalt  }
0x69: {  	_ =	shalt  }
0x6a: {  	_ =	shalt  }
0x6b: {  	_ =	shalt  }
0x6c: {  	_ =	shalt  }
0x6d: {  	_ =	shalt  }
0x6e: {  	_ =	shalt  }
0x6f: {  	_ =	shalt  }
0x70: {  	_ =	shalt  }
0x71: {  	_ =	shalt  }
0x72: {  	_ =	shalt  }
0x73: {  	_ =	shalt  }
0x74: {  	_ =	shalt  }
0x75: {  	_ =	shalt  }
0x76: {  	_ =	shalt  }
0x77: {  	_ =	shalt  }
0x78: {  	_ =	shalt  }
0x79: {  	_ =	shalt  }
0x7a: {  	_ =	shalt  }
0x7b: {  	_ =	shalt  }
0x7c: {  	_ =	shalt  }
0x7d: {  	_ =	shalt  }
0x7e: {  	_ =	shalt  }
0x7f: {  	_ =	shalt  }
0x80: {  	_ =	shalt  }
0x81: {  	_ =	shalt  }
0x82: {  	_ =	shalt  }
0x83: {  	_ =	shalt  }
0x84: {  	_ =	shalt  }
0x85: {  	_ =	shalt  }
0x86: {  	_ =	shalt  }
0x87: {  	_ =	shalt  }
.Lfunc_end0:
.L_simem_size_0:
called_computation_lowered:
.L_overlay_start_0:
0x88: {  	s2 =	sld [smem:$0x3FD9]  }
0x89: {  	s3 =	sld [smem:$0x3FFE];
	_ =	sdelay $0x1  }
0x8a: {  	s1 =	srdreg.scid  }
0x8b: {  	s0 =	sand.u32 $0x1, s1  }
0x8c: {  	s15 =	sshll.u32 s0, $0xA;
	s2 =	sadd.s32 s3, s2  }
0x8d: {  	s2 =	sadd.s32 s2, s15  }
0x8e: {  	[smem:$0x3FC6] =	sst s2  }
0x8f: {  	_ = 	snop  }
0x90: {  	s2 =	sld [smem:$0x3FD0];
	_ =	sdelay $0x1  }
0x91: {  	s16 =	sld [smem:$0x3FC9]  }
0x92: {  	s5 =	simm.s32 $0xA;
	s6 =	simm.s32 $0x10;
	s4 =	sld [smem:$0x3FC8]  }
0x93: {  	[smem:s6], [sflag:s5] =	dma.local [hbm:s2], $0x1  }
0x94: {  	_ =	swait.eq [sflag:s5], $0x1  }
0x95: {  	s17 =	sld [smem:$0x10];
	[sflag:s5] =	ssyncset.done $0x0  }
0x96: {  	s18 =	sld [smem:$0x11];
	[sflag:s5] =	ssyncadd.s32 $0xFFFFFFFF  }
0x97: {  	s19 =	sld [smem:$0x12];
	(tm) =	ssettm $0x1  }
0x98: {  	s7 =	sld [smem:$0x3FFB];
	_ =	sdelay $0x3  }
0x99: {  	_ =	strace s7  }
0x9a: {  	s7 =	sld [smem:$0x3FFC];
	_ =	sdelay $0x3  }
0x9b: {  	_ =	strace s7  }
0x9c: {  	s7 =	sld [smem:$0x3FFD];
	_ =	sdelay $0x3  }
0x9d: {  	_ =	strace s7  }
0x9e: {  	_ =	strace $0x8FFFFFFF  }
0x9f: {  	s20 =	sld [smem:$0x3FDB];
	_ =	sdelay $0x1  }
0xa0: {  	s8 =	simm.s32 $_scs_section_size  }
0xa1: {  	s9 =	simm.s32 $_size__tile_overlayer_lowered;
	s10 =	simm.s32 $_tile_overlayer_lowered  }
0xa2: {  	s23 =	simm.s32 $0x1BFF;
	s22 =	sshll.u32 s10, $0x1;
	s7 =	sadd.s32 s8, s20  }
0xa3: {  	s11 =	simm.s32 $0x0;
	s21 =	sshll.u32 s9, $0x1;
	s9 =	sadd.s32 s22, s7  }
0xa4: {  	[timem:s11], [sflag:s23] =	dma.local [hbm:s9], s21  }
0xa5: {  	_ =	swait.ge [sflag:s23], s21  }
0xa6: {  	s8 =	ssub.s32 $0x0, s21;
	[sflag:s23] =	ssyncset.done $0x0  }
0xa7: {  	[sflag:s23] =	ssyncadd.s32 s8;
	_ =	sdelay $0x1  }
0xa8: {  	s24 =	simm.s32 $0x1B8B  }
0xa9: {  	_ =	swait.ge [sflag:s24], $0x1  }
0xaa: {  	[sflag:s24] =	ssyncset.done $0x0  }
0xab: {  	s25 =	simm.s32 $0x1B8E;
	[sflag:s24] =	ssyncadd.s32 $0xFFFFFFFF  }
0xac: {  	s26 =	simm.s32 $execute0_lowered;
	[smem:$0x3FD2] =	sst s25  }
0xad: {  	s8 =	sshll.u32 s26, $0x1;
	_ =	strace $0x80000046;
	[dreg:$0x1] =	wrdreg $0xFFFFFFFF  }
0xae: {  	s28 =	simm.s32 $_size_execute0_lowered;
	s7 =	sadd.s32 s7, s8;
	[dreg:$0x0] =	wrdreg $0x0  }
0xaf: {  	s8 =	sshll.u32 s28, $0x1;
	[dreg:$0x2] =	wrdreg s7  }
0xb0: {  	[dreg:$0x3] =	wrdreg s8  }
0xb1: {  	[dreg:$0x4] =	wrdreg $0xC0  }
0xb2: {  	_ =	task [dreg:s11], $0x5FFFF  }
0xb3: {  	[dreg:$0x1] =	wrdreg $0xFFFFFFFF  }
0xb4: {  	[dreg:$0x0] =	wrdreg $0x60  }
0xb5: {  	[dreg:$0x2] =	wrdreg s16  }
0xb6: {  	[dreg:$0x3] =	wrdreg s4  }
0xb7: {  	[dreg:$0x4] =	wrdreg s17  }
0xb8: {  	[dreg:$0x5] =	wrdreg s18  }
0xb9: {  	[dreg:$0x6] =	wrdreg s19  }
0xba: {  	[dreg:$0x7] =	wrdreg $0x9  }
0xbb: {  	_ =	task.clear_ibuf [dreg:s11], $0x8FFFF;
	_ =	strace $0x90000046  }
0xbc: {  	s29 =	simm.s32 $0x9;
	_ =	strace $0x80000048  }
0xbd: {  	_ =	swait.ge [sflag:s29], $0x1  }
0xbe: {  	[sflag:s29] =	ssyncadd.s32 $0xFFFFFFFF  }
0xbf: {  	_ =	strace $0x90000048  }
0xc0: {  	_ =	sfence  }
0xc1: {  	s30 =	sld [smem:$0x0];
	_ =	sdelay $0x2  }
0xc2: {  	s31 =	sshll.u32 s1, $0xD;
	s1 =	sshrl.u32 s1, $0x2  }
0xc3: {  	s3 =	sand.u32 $0x4000, s31;
	s1 =	sadd.s32 s1, s30  }
0xc4: {  	s0 =	sor.u32 s3, s0;
	s1 =	sshll.u32 s1, $0x11  }
0xc5: {  	s0 =	sor.u32 s1, s0  }
0xc6: {  	s0 =	sadd.s32 $0x8F2B, s0  }
0xc7: {  	[sflag:s0] =	ssyncadd.remote.s32 $0x1  }
0xc8: {  	_ =	sfence.sel $0xFFFF  }
0xc9: {  	[dreg:$0x0] =	wrdreg $0xFFFFFFFF;
	(pc) =	sbr.abs _section_cstart, $3  }
0xca: {  	[dreg:$0x1] =	wrdreg $0xFFFFFFFF  }
0xcb: {  	_ =	task.clear_ibuf [dreg:s11], $0x2FFFF;
	_ =	strace $0x9FFFFFFF  }
0xcc: {  	(tm) =	ssettm $0x7FFFFFFF  }
0xcd: {  	_ =	shalt  }
tec
execute0_lowered:
.L_overlay_start_1:
0x0: {  	(tag) =	ssettag $0x1  }
0x1: {  	s0 =	rddreg [dreg:$0x0]  }
0x2: {  	s1 =	rddreg [dreg:$0x1]  }
0x3: {  	s14 =	rddreg [dreg:$0x2]  }
0x4: {  	s15 =	rddreg [dreg:$0x3]  }
0x5: {  	s16 =	rddreg [dreg:$0x4];
	s2 =	srdreg.scid  }
0x6: {  	s5 =	stileid.u32;
	s28 =	simm.s32 $0x13F00;
	s3 =	sand.u32 $0x1, s2  }
0x7: {  	s29 =	simm.s32 $0x16700;
	s30 =	simm.s32 $0x0;
	s4 =	sshll.u32 s3, $0x4  }
0x8: {  	s2 =	simm.s32 $0x0;
	s3 =	ssub.s32 $0x2, s3;
	s9 =	sor.u32 s5, s4  }
0x9: {  	[smem:$0x7FF] =	sst s2;
	s22 =	sshrl.u32 s3, $0x1;
	s5 =	smul.u32 $0x4E2, s9  }
0xa: {  	_ =	strace $0x80000047;
	s17 =	ssub.s32 s3, s22;
	s6 =	smul.u32 $0x500, s9  }
0xb: {  	s10 =	sor.u32 $0x20, s9;
	s24 =	sshll.u32 s9, $0x1;
	s25 =	sor.u32 $0x40, s9  }
0xc: {  	s18 =	sor.u32 $0x60, s9;
	s22 =	simm.s32 $0x18F00;
	s23 =	smul.u32 $0x500, s10  }
0xd: {  	s7 =	sadd.s32 s16, s24;
	s10 =	sshll.u32 s10, $0x1;
	s12 =	smul.u32 $0x500, s25  }
0xe: {  	s26 =	smul.u32 $0x500, s18;
	s31 =	sshll.u32 s18, $0x1;
	s17 =	smax.u32 s17, $0x1  }
0xf: {  	s18 =	simm.s32 $0x1;
	s24 =	simm.s32 $0xC700;
	s3 =	sadd.s32 s0, s5  }
0x10: {  	s4 =	sadd.s32 s1, s5;
	s5 =	sadd.s32 s14, s6;
	s6 =	sadd.s32 s15, s6  }
0x11: {  	s10 =	sadd.s32 s16, s10;
	s1 =	sshll.u32 s25, $0x1;
	s25 =	simm.s32 $0xEF00  }
0x12: {  	s8 =	sadd.s32 s14, s23;
	s9 =	sadd.s32 s15, s23;
	s11 =	sadd.s32 s14, s12  }
0x13: {  	s12 =	sadd.s32 s15, s12;
	s13 =	sadd.s32 s16, s1;
	s14 =	sadd.s32 s14, s26  }
0x14: {  	v0 =	vimm.s32 $0x0;
	v1 =	vimm.s32 $0x1388;
	s15 =	sadd.s32 s15, s26;
	s16 =	sadd.s32 s16, s31;
	s26 =	simm.s32 $0x11700  }
.LBB2_1:
0x15: {  	[tilespmem:s2], [sflag:$0x1] =	stream.linear.gather [hbm4b:s3+s2], $0x2710, $0x38;
	[tilespmem:$0x18F80] =	vst v63  }
0x16: {  	_ =	swait.ge [sflag:s18], $0x2710  }
0x17: {  	[sflag:s18] =	ssyncset.done $0x0  }
0x18: {  	s0 =	simm.s32 $0x2780;
	[sflag:s18] =	ssyncadd.s32 $0xFFFFD8F0  }
0x19: {  	[tilespmem:s0], [sflag:$0x1] =	stream.linear.gather [hbm4b:s4+s2], $0x2710, $0x38;
	[tilespmem:$0x18F80] =	vst v63  }
0x1a: {  	_ =	swait.ge [sflag:s18], $0x2710  }
0x1b: {  	[sflag:s18] =	ssyncset.done $0x0  }
0x1c: {  	s21 =	simm.s32 $0x0;
	[sflag:s18] =	ssyncadd.s32 $0xFFFFD8F0  }
0x1d: {  	v2 =	vld [tilespmem:s21+$0x0]  }
0x1e: {  	v3 =	vld [tilespmem:s21+$0x2780];
	_ =	sdelay $0x4  }
0x1f: {  	vm0 =	vlt.s32 v2, $0x1388;
	vm1 =	vlt.s32 v3, $0x1388  }
0x20: {  	vm2 =	vmand vm0, vm1  }
0x21: {  	vm3 =	vge.s32 v2, $0x1388;
	[tilespmem:s2+$0x4F00] =	vst.msk vm2, v2  }
0x22: {  	vm1 =	vmand vm1, vm3;
	[tilespmem:s2+$0x7700] =	vst.msk vm2, v3  }
0x23: {  	vm4 =	vge.s32 v3, $0x1388;
	[tilespmem:s2+$0x9F00] =	vst.msk vm1, v2  }
0x24: {  	v4 =	vadd.s32 $0xFFFFEC78, v2;
	vm3 =	vmand vm3, vm4;
	[tilespmem:s2+$0xC700] =	vst.msk vm1, v3  }
0x25: {  	[tilespmem:s2+$0xEF00] =	vst.msk vm3, v4;
	v4 =	vmpcnt.ones.xlane vm2  }
0x26: {  	v5 =	vmpcnt.ones.xlane vm1  }
0x27: {  	vm0 =	vmand vm0, vm4;
	v6 =	vmpcnt.ones.xlane vm3;
	(v2sf) =	vpush v4, $0x0  }
0x28: {  	v4 =	vmpcnt.ones.xlane vm0;
	(v2sf) =	vpush v5, $0x0  }
0x29: {  	(v2sf) =	vpush v6, $0x0  }
0x2a: {  	v3 =	vadd.s32 $0xFFFFEC78, v3;
	(v2sf) =	vpush v4, $0x0  }
0x2b: {  	[tilespmem:s2+$0x11700] =	vst.msk vm3, v3  }
0x2c: {  	[tilespmem:s2+$0x13F00] =	vst.msk vm0, v2  }
0x2d: {  	s23 =	simm.s32 $0x10;
	[tilespmem:s2+$0x16700] =	vst.msk vm0, v3  }
0x2e: {  	v2 =	vld [tilespmem:s23+$0x0]  }
0x2f: {  	v3 =	vld [tilespmem:s23+$0x2780];
	_ =	sdelay $0x3  }
0x30: {  	s20 =	simm.s32 $0x80;
	s1 =	simm.s32 $0x0;
	vm2 =	vge.s32 v2, $0x1388  }
0x31: {  	s19 =	simm.s32 $0x0;
	s31 =	simm.s32 $0x0;
	s0 =	simm.s32 $0x0;
	vm0 =	vlt.s32 v2, $0x1388;
	vm1 =	vge.s32 v3, $0x1388;
	vm3 =	vlt.s32 v3, $0x1388  }
.LBB2_2:
0x32: {  	p0 =	sne.s32 s20, $0x9C00  }
0x33: {  	vm4 =	vmand vm0, vm3;
	vm3 =	vmand vm3, vm2;
	vm2 =	vmand vm2, vm1;
	s21 =	spop (v2sf);
	s23 =	smov.u32 s20;
	s20 =	sadd.s32 $0x40, s20  }
0x34: {  	vm0 =	vmand vm0, vm1;
	v4 =	vmpcnt.ones.xlane vm4;
	v5 =	vmpcnt.ones.xlane vm3;
	s1 =	sadd.s32 s1, s21;
	s21 =	spop (v2sf)  }
0x35: {  	v6 =	vmpcnt.ones.xlane vm2;
	v7 =	vmpcnt.ones.xlane vm0;
	[tilespmem:s1+$0x4F00] =	vst.msk vm4, v2;
	s19 =	sadd.s32 s19, s21;
	s21 =	spop (v2sf)  }
0x36: {  	[tilespmem:s1+$0x7700] =	vst.msk vm4, v3;
	(v2sf) =	vpush v4, $0x0;
	s0 =	sadd.s32 s0, s21;
	s21 =	spop (v2sf)  }
0x37: {  	[tilespmem:s19+$0x9F00] =	vst.msk vm3, v2;
	(v2sf) =	vpush v5, $0x0;
	s31 =	sadd.s32 s31, s21  }
0x38: {  	v4 =	vadd.s32 $0xFFFFEC78, v2;
	[tilespmem:s19+$0xC700] =	vst.msk vm3, v3;
	(v2sf) =	vpush v6, $0x0  }
0x39: {  	v3 =	vadd.s32 $0xFFFFEC78, v3;
	[tilespmem:s0+$0xEF00] =	vst.msk vm2, v4;
	(v2sf) =	vpush v7, $0x0  }
0x3a: {  	[tilespmem:s0+$0x11700] =	vst.msk vm2, v3  }
0x3b: {  	[tilespmem:s31+$0x13F00] =	vst.msk vm0, v2  }
0x3c: {  	[tilespmem:s31+$0x16700] =	vst.msk vm0, v3  }
0x3d: {  	s21 =	sshra.s32 s23, $0x2  }
0x3e: {  	v2 =	vld [tilespmem:s21+$0x0]  }
0x3f: {  	v3 =	vld [tilespmem:s21+$0x2780]  }
.Ltmp0:
0x40: {  	(pc) =	sbr.rel @p0 .LBB2_2-.Ltmp0, $3  }
0x41: {  	_ =	sdelay $0x1  }
0x42: {  	vm2 =	vge.s32 v2, $0x1388;
	vm0 =	vlt.s32 v2, $0x1388  }
0x43: {  	vm1 =	vge.s32 v3, $0x1388;
	vm3 =	vlt.s32 v3, $0x1388  }
0x44: {  	vm4 =	vmand vm0, vm3  }
0x45: {  	v4 =	vmpcnt.ones.xlane vm4;
	_ =	sdelay $0x1  }
0x46: {  	(v2sf) =	vpush v4, $0x0;
	_ =	sdelay $0x6  }
0x47: {  	s20 =	spop (v2sf)  }
0x48: {  	s1 =	sadd.s32 s1, s20  }
0x49: {  	s23 =	spop (v2sf);
	[tilespmem:s1+$0x4F00] =	vst.msk vm4, v2  }
0x4a: {  	vm13 =	vmand vm3, vm2;
	s20 =	sadd.s32 s19, s23;
	[tilespmem:s1+$0x7700] =	vst.msk vm4, v3  }
0x4b: {  	s21 =	spop (v2sf);
	[tilespmem:s20+$0x9F00] =	vst.msk vm13, v2  }
0x4c: {  	vm14 =	vmand vm2, vm1;
	v62 =	vadd.s32 $0xFFFFEC78, v2;
	s21 =	sadd.s32 s0, s21;
	[tilespmem:s20+$0xC700] =	vst.msk vm13, v3  }
0x4d: {  	s23 =	spop (v2sf);
	v3 =	vadd.s32 $0xFFFFEC78, v3;
	[tilespmem:s21+$0xEF00] =	vst.msk vm14, v62  }
0x4e: {  	vm15 =	vmand vm0, vm1;
	v63 =	vmpcnt.ones.xlane vm13;
	s19 =	sadd.s32 s31, s23;
	[tilespmem:s21+$0x11700] =	vst.msk vm14, v3  }
0x4f: {  	[tilespmem:s19+$0x13F00] =	vst.msk vm15, v2;
	s31 =	spop (v2sf)  }
0x50: {  	(v2sf) =	vpush v63, $0x0;
	[tilespmem:s19+$0x16700] =	vst.msk vm15, v3;
	s31 =	sadd.s32 s1, s31  }
0x51: {  	[tilespmem:s31+$0x4F00] =	vst v0  }
0x52: {  	[tilespmem:s31+$0x7700] =	vst v1  }
0x53: {  	[tilespmem:s31+$0x4F10] =	vst v0  }
0x54: {  	[tilespmem:s31+$0x7710] =	vst v1  }
0x55: {  	[tilespmem:s31+$0x4F20] =	vst v0  }
0x56: {  	[tilespmem:s31+$0x7720] =	vst v1  }
0x57: {  	[tilespmem:s31+$0x4F30] =	vst v0  }
0x58: {  	[tilespmem:s31+$0x7730] =	vst v1  }
0x59: {  	[tilespmem:s31+$0x4F40] =	vst v0  }
0x5a: {  	[tilespmem:s31+$0x7740] =	vst v1  }
0x5b: {  	[tilespmem:s31+$0x4F50] =	vst v0  }
0x5c: {  	[tilespmem:s31+$0x7750] =	vst v1  }
0x5d: {  	[tilespmem:s31+$0x4F60] =	vst v0  }
0x5e: {  	v2 =	vmpcnt.ones.xlane vm14;
	[tilespmem:s31+$0x7760] =	vst v1  }
0x5f: {  	s1 =	spop (v2sf);
	[tilespmem:s31+$0x4F70] =	vst v0  }
0x60: {  	(v2sf) =	vpush v2, $0x0;
	s0 =	sadd.s32 s20, s1;
	[tilespmem:s31+$0x7770] =	vst v1  }
0x61: {  	[tilespmem:s0+$0x9F00] =	vst v0  }
0x62: {  	[tilespmem:s0+$0xC700] =	vst v1  }
0x63: {  	[tilespmem:s0+$0x9F10] =	vst v0  }
0x64: {  	[tilespmem:s0+$0xC710] =	vst v1  }
0x65: {  	[tilespmem:s0+$0x9F20] =	vst v0  }
0x66: {  	[tilespmem:s0+$0xC720] =	vst v1  }
0x67: {  	[tilespmem:s0+$0x9F30] =	vst v0  }
0x68: {  	[tilespmem:s0+$0xC730] =	vst v1  }
0x69: {  	[tilespmem:s0+$0x9F40] =	vst v0  }
0x6a: {  	[tilespmem:s0+$0xC740] =	vst v1  }
0x6b: {  	[tilespmem:s0+$0x9F50] =	vst v0  }
0x6c: {  	[tilespmem:s0+$0xC750] =	vst v1  }
0x6d: {  	[tilespmem:s0+$0x9F60] =	vst v0  }
0x6e: {  	v2 =	vmpcnt.ones.xlane vm15;
	[tilespmem:s0+$0xC760] =	vst v1  }
0x6f: {  	[tilespmem:s0+$0x9F70] =	vst v0;
	s20 =	spop (v2sf)  }
0x70: {  	[tilespmem:s0+$0xC770] =	vst v1;
	(v2sf) =	vpush v2, $0x0;
	s1 =	sadd.s32 s21, s20  }
0x71: {  	[tilespmem:s1+$0xEF00] =	vst v0  }
0x72: {  	[tilespmem:s1+$0x11700] =	vst v1  }
0x73: {  	[tilespmem:s1+$0xEF10] =	vst v0  }
0x74: {  	[tilespmem:s1+$0x11710] =	vst v1  }
0x75: {  	[tilespmem:s1+$0xEF20] =	vst v0  }
0x76: {  	[tilespmem:s1+$0x11720] =	vst v1  }
0x77: {  	[tilespmem:s1+$0xEF30] =	vst v0  }
0x78: {  	[tilespmem:s1+$0x11730] =	vst v1  }
0x79: {  	[tilespmem:s1+$0xEF40] =	vst v0  }
0x7a: {  	[tilespmem:s1+$0x11740] =	vst v1  }
0x7b: {  	[tilespmem:s1+$0xEF50] =	vst v0  }
0x7c: {  	[tilespmem:s1+$0x11750] =	vst v1  }
0x7d: {  	[tilespmem:s1+$0xEF60] =	vst v0  }
0x7e: {  	[tilespmem:s1+$0x11760] =	vst v1  }
0x7f: {  	[tilespmem:s1+$0xEF70] =	vst v0;
	s23 =	spop (v2sf)  }
0x80: {  	[tilespmem:s1+$0x11770] =	vst v1;
	s19 =	sadd.s32 s19, s23  }
0x81: {  	[tilespmem:s19+$0x13F00] =	vst v0  }
0x82: {  	[tilespmem:s19+$0x16700] =	vst v1  }
0x83: {  	[tilespmem:s19+$0x13F10] =	vst v0  }
0x84: {  	[tilespmem:s19+$0x16710] =	vst v1  }
0x85: {  	[tilespmem:s19+$0x13F20] =	vst v0  }
0x86: {  	[tilespmem:s19+$0x16720] =	vst v1  }
0x87: {  	[tilespmem:s19+$0x13F30] =	vst v0  }
0x88: {  	[tilespmem:s19+$0x16730] =	vst v1  }
0x89: {  	[tilespmem:s19+$0x13F40] =	vst v0  }
0x8a: {  	[tilespmem:s19+$0x16740] =	vst v1  }
0x8b: {  	[tilespmem:s19+$0x13F50] =	vst v0  }
0x8c: {  	[tilespmem:s19+$0x16750] =	vst v1  }
0x8d: {  	[tilespmem:s19+$0x13F60] =	vst v0  }
0x8e: {  	[tilespmem:s19+$0x16760] =	vst v1  }
0x8f: {  	[tilespmem:s19+$0x13F70] =	vst v0  }
0x90: {  	s21 =	simm.s32 $0x4F00;
	[tilespmem:s19+$0x16770] =	vst v1  }
0x91: {  	[hbm4b:s5+s2] =	stream.linear.scatter [tilespmem:s21], [sflag:$0x1], $0x2800, $0x38;
	[tilespmem:$0x18F80] =	vst v63  }
0x92: {  	_ =	swait.ge [sflag:s18], $0x2800  }
0x93: {  	[sflag:s18] =	ssyncset.done $0x0  }
0x94: {  	s23 =	simm.s32 $0x7700;
	[sflag:s18] =	ssyncadd.s32 $0xFFFFD800  }
0x95: {  	[hbm4b:s6+s2] =	stream.linear.scatter [tilespmem:s23], [sflag:$0x1], $0x2800, $0x38;
	[tilespmem:$0x18F80] =	vst v63  }
0x96: {  	_ =	swait.ge [sflag:s18], $0x2800  }
0x97: {  	[sflag:s18] =	ssyncset.done $0x0  }
0x98: {  	v2 =	vmov s31;
	[sflag:s18] =	ssyncadd.s32 $0xFFFFD800  }
0x99: {  	[tilespmem:$0x18F00] =	vst v2  }
0x9a: {  	[hbm4b:s7+s2] =	stream.linear.scatter [tilespmem:s22], [sflag:$0x1], $0x10, $0x38;
	[tilespmem:$0x18F80] =	vst v63  }
0x9b: {  	_ =	swait.ge [sflag:s18], $0x10  }
0x9c: {  	[sflag:s18] =	ssyncset.done $0x0  }
0x9d: {  	s31 =	simm.s32 $0x9F00;
	[sflag:s18] =	ssyncadd.s32 $0xFFFFFFF0  }
0x9e: {  	[hbm4b:s8+s2] =	stream.linear.scatter [tilespmem:s31], [sflag:$0x1], $0x2800, $0x38;
	[tilespmem:$0x18F80] =	vst v63  }
0x9f: {  	_ =	swait.ge [sflag:s18], $0x2800  }
0xa0: {  	[sflag:s18] =	ssyncset.done $0x0  }
0xa1: {  	[sflag:s18] =	ssyncadd.s32 $0xFFFFD800  }
0xa2: {  	[hbm4b:s9+s2] =	stream.linear.scatter [tilespmem:s24], [sflag:$0x1], $0x2800, $0x38;
	[tilespmem:$0x18F80] =	vst v63  }
0xa3: {  	_ =	swait.ge [sflag:s18], $0x2800  }
0xa4: {  	[sflag:s18] =	ssyncset.done $0x0  }
0xa5: {  	v2 =	vmov s0;
	[sflag:s18] =	ssyncadd.s32 $0xFFFFD800  }
0xa6: {  	[tilespmem:$0x18F00] =	vst v2  }
0xa7: {  	[hbm4b:s10+s2] =	stream.linear.scatter [tilespmem:s22], [sflag:$0x1], $0x10, $0x38;
	[tilespmem:$0x18F80] =	vst v63  }
0xa8: {  	_ =	swait.ge [sflag:s18], $0x10  }
0xa9: {  	[sflag:s18] =	ssyncset.done $0x0  }
0xaa: {  	[sflag:s18] =	ssyncadd.s32 $0xFFFFFFF0  }
0xab: {  	[hbm4b:s11+s2] =	stream.linear.scatter [tilespmem:s25], [sflag:$0x1], $0x2800, $0x38;
	[tilespmem:$0x18F80] =	vst v63  }
0xac: {  	_ =	swait.ge [sflag:s18], $0x2800  }
0xad: {  	[sflag:s18] =	ssyncset.done $0x0  }
0xae: {  	[sflag:s18] =	ssyncadd.s32 $0xFFFFD800  }
0xaf: {  	[hbm4b:s12+s2] =	stream.linear.scatter [tilespmem:s26], [sflag:$0x1], $0x2800, $0x38;
	[tilespmem:$0x18F80] =	vst v63  }
0xb0: {  	_ =	swait.ge [sflag:s18], $0x2800  }
0xb1: {  	[sflag:s18] =	ssyncset.done $0x0  }
0xb2: {  	v2 =	vmov s1;
	[sflag:s18] =	ssyncadd.s32 $0xFFFFD800  }
0xb3: {  	[tilespmem:$0x18F00] =	vst v2  }
0xb4: {  	[hbm4b:s13+s2] =	stream.linear.scatter [tilespmem:s22], [sflag:$0x1], $0x10, $0x38;
	[tilespmem:$0x18F80] =	vst v63  }
0xb5: {  	_ =	swait.ge [sflag:s18], $0x10  }
0xb6: {  	[sflag:s18] =	ssyncset.done $0x0  }
0xb7: {  	[sflag:s18] =	ssyncadd.s32 $0xFFFFFFF0  }
0xb8: {  	[hbm4b:s14+s2] =	stream.linear.scatter [tilespmem:s28], [sflag:$0x1], $0x2800, $0x38;
	[tilespmem:$0x18F80] =	vst v63  }
0xb9: {  	_ =	swait.ge [sflag:s18], $0x2800  }
0xba: {  	[sflag:s18] =	ssyncset.done $0x0  }
0xbb: {  	[sflag:s18] =	ssyncadd.s32 $0xFFFFD800  }
0xbc: {  	[hbm4b:s15+s2] =	stream.linear.scatter [tilespmem:s29], [sflag:$0x1], $0x2800, $0x38;
	[tilespmem:$0x18F80] =	vst v63  }
0xbd: {  	_ =	swait.ge [sflag:s18], $0x2800  }
0xbe: {  	s30 =	sadd.s32 $0x1, s30;
	[sflag:s18] =	ssyncset.done $0x0  }
0xbf: {  	p0 =	sne.s32 s30, s17;
	v2 =	vmov s19;
	[sflag:s18] =	ssyncadd.s32 $0xFFFFD800  }
.Ltmp1:
0xc0: {  	[tilespmem:$0x18F00] =	vst v2;
	(pc) =	sbr.rel @p0 .LBB2_1-.Ltmp1, $4  }
0xc1: {  	[hbm4b:s16+s2] =	stream.linear.scatter [tilespmem:s22], [sflag:$0x1], $0x10, $0x38;
	[tilespmem:$0x18F80] =	vst v63  }
0xc2: {  	_ =	swait.ge [sflag:s18], $0x10  }
0xc3: {  	[sflag:s18] =	ssyncset.done $0x0  }
0xc4: {  	[sflag:s18] =	ssyncadd.s32 $0xFFFFFFF0  }
0xc5: {  	_ =	sfence.sel $0x180000  }
0xc6: {  	[bflag:$0x0] =	sbarrier.arrive $0xFFFF  }
0xc7: {  	_ =	strace $0x90000047  }
0xc8: {  	s0 =	stileid.u32;
	[bflag:$0x2] =	sbarrier.arrive $0xFFFF  }
0xc9: {  	p0 =	sne.s32 s0, $0x0;
	s0 =	rddreg [dreg:$0x5]  }
0xca: {  	s0 =	sadd.s32 @!p0 $0x100000, s0  }
0xcb: {  	[sflag:s0] =	ssyncadd.tile.s32 @!p0 $0x1;
	_ =	shalt  }
.Lfunc_end2:
_tile_overlayer_lowered:
.L_overlay_start_2:
0xcc: {  	(tag) =	ssettag $0x2  }
0xcd: {  	s0 =	rddreg [dreg:$0x0];
	s2 =	stileid.u32  }
0xce: {  	s1 =	rddreg [dreg:$0x1];
	p0 =	sne.s32 s2, $0x0  }
0xcf: {  	s3 =	rddreg [dreg:$0x2];
	[bflag:$0x3] =	sbarrier.arrive $0xFFFF;
	s2 =	simm.s32 @!p0 $0x1C01  }
0xd0: {  	[timem:s3], [sflag:s2] =	dma.local @!p0 [hbm:s0], s1  }
0xd1: {  	s0 =	simm.s32 @!p0 $0x1  }
0xd2: {  	_ =	swait.ge @!p0 [sflag:s0], s1  }
0xd3: {  	s1 =	ssub.s32 @!p0 $0x0, s1;
	[sflag:s0] =	ssyncset.done @!p0 $0x0  }
0xd4: {  	[sflag:s0] =	ssyncadd.s32 @!p0 s1  }
0xd5: {  	[bflag:$0x3] =	sbarrier.arrive $0xFFFF  }
0xd6: {  	_ =	shalt  }

</sc_bundles>
